<compile_context>
chip_gen: v7x
topology: tpu7x:2x2x1
jax: 0.10.2.dev20260603
libtpu: 0.0.44.dev20260713+nightly
codegen_flags: <defaults>
</compile_context>

<pallas_src>
import functools

import jax
import jax.numpy as jnp
from jax import lax
from jax.experimental import pallas as pl
from jax.experimental.pallas import tpu as pltpu
from jax.experimental.pallas import tpu_sc as plsc

N_CAT_K = 1000
BATCH_K = 4096
FEAT_K = 26
LANES = 16

_SC_INFO = plsc.get_sparse_core_info()
NUM_CORES = _SC_INFO.num_cores
NUM_SUBCORES = _SC_INFO.num_subcores
NUM_WORKERS = NUM_CORES * NUM_SUBCORES

B_PER_WORKER = BATCH_K // NUM_WORKERS
C_SPLIT = 496
C_A, C_B = C_SPLIT, N_CAT_K - C_SPLIT


def _sc_one_hot(xt_flat):
    mesh = plsc.VectorSubcoreMesh(core_axis_name="c", subcore_axis_name="s")

    @functools.partial(
        pl.kernel,
        mesh=mesh,
        compiler_params=pltpu.CompilerParams(needs_layout_passes=False),
        out_type=jax.ShapeDtypeStruct((FEAT_K, N_CAT_K, BATCH_K), jnp.float32),
        scratch_types=[
            pltpu.VMEM((B_PER_WORKER,), jnp.int32),
            pltpu.VMEM((B_PER_WORKER,), jnp.int32),
            pltpu.VMEM((1, C_A, B_PER_WORKER), jnp.float32),
            pltpu.VMEM((1, C_B, B_PER_WORKER), jnp.float32),
            pltpu.SemaphoreType.DMA,
            pltpu.SemaphoreType.DMA,
            pltpu.SemaphoreType.DMA,
            pltpu.SemaphoreType.DMA,
        ],
    )
    def body(
        xt_hbm, out_hbm, idx0, idx1, buf_a, buf_b, sem_i0, sem_i1, sem_a, sem_b
    ):
        wid = lax.axis_index("s") * NUM_CORES + lax.axis_index("c")
        b0 = wid * B_PER_WORKER
        idxs = (idx0, idx1)
        isems = (sem_i0, sem_i1)

        zeros16 = jnp.zeros((LANES,), jnp.float32)
        ones16 = jnp.full((LANES,), 1.0, jnp.float32)
        lane_iota = lax.iota(jnp.int32, LANES)
        zero_b = jnp.zeros((LANES,), jnp.int32)

        def idx_copy(j, parity):
            return pltpu.make_async_copy(
                xt_hbm.at[pl.ds(j * BATCH_K + b0, B_PER_WORKER)],
                idxs[parity],
                isems[parity],
            )

        def zero_rows(c, carry):
            for off in range(0, B_PER_WORKER, LANES):
                buf_b[0, c, pl.ds(off, LANES)] = zeros16

            @pl.when(c < C_A)
            def _():
                for off in range(0, B_PER_WORKER, LANES):
                    buf_a[0, c, pl.ds(off, LANES)] = zeros16

            return carry

        idx_copy(0, 0).start()
        lax.fori_loop(0, C_B, zero_rows, 0)

        def scatter(idx_ref, val16):
            for m in range(B_PER_WORKER // LANES):
                cat = idx_ref[pl.ds(m * LANES, LANES)]
                b_loc = lane_iota + (m * LANES)
                in_a = cat < C_SPLIT
                cat_a = jnp.minimum(cat, C_SPLIT - 1)
                cat_b = jnp.maximum(cat - C_SPLIT, 0)
                plsc.store_scatter(
                    buf_a, [zero_b, cat_a, b_loc], val16, mask=in_a
                )
                plsc.store_scatter(
                    buf_b, [zero_b, cat_b, b_loc], val16, mask=~in_a
                )

        def copy_a(j):
            return pltpu.make_async_copy(
                buf_a,
                out_hbm.at[pl.ds(j, 1), pl.ds(0, C_A), pl.ds(b0, B_PER_WORKER)],
                sem_a,
            )

        def copy_b(j):
            return pltpu.make_async_copy(
                buf_b,
                out_hbm.at[
                    pl.ds(j, 1), pl.ds(C_SPLIT, C_B), pl.ds(b0, B_PER_WORKER)
                ],
                sem_b,
            )

        idx_copy(0, 0).wait()
        scatter(idx0, ones16)
        copy_a(0).start()
        copy_b(0).start()
        idx_copy(1, 1).start()

        def step(j, p, prefetch):
            copy_a(j).wait()
            copy_b(j).wait()
            scatter(idxs[1 - p], zeros16)
            if prefetch:
                idx_copy(j + 1, 1 - p).start()
            idx_copy(j, p).wait()
            scatter(idxs[p], ones16)
            copy_a(j).start()
            copy_b(j).start()

        def main_body(g, carry):
            for par in range(2):
                step(1 + g * 2 + par, (1 + par) % 2, True)
            return carry

        lax.fori_loop(0, (FEAT_K - 2) // 2, main_body, 0)

        step(FEAT_K - 1, (FEAT_K - 1) % 2, False)
        copy_a(FEAT_K - 1).wait()
        copy_b(FEAT_K - 1).wait()

    return body(xt_flat)


def kernel(x, eye):
    del eye
    xt_flat = x.astype(jnp.int32).T.reshape(-1)
    out_t = _sc_one_hot(xt_flat)
    return out_t.transpose(2, 0, 1)

# --- scband reference (transcript-rebuilt; emitter-appended) ---
"""Pipeline reference for scband-one-hot-85246510891306 (READ-ONLY COPY).

The authoritative reference and input builder live on the scoring server;
editing this copy changes nothing except your own understanding.
"""

import jax, jax.numpy as jnp
import numpy as np

N_CAT = 1000

def setup_inputs(seed: int = 0) -> dict:
    key = jax.random.key(seed)
    x = jax.random.randint(key, (4096, 26), 0, N_CAT, dtype=jnp.int64)
    # The torch module materializes torch.eye(n_cat) in forward; materialize it here
    # so the gather pattern (row lookup into an identity table) is explicit.
    eye = jnp.eye(N_CAT, dtype=jnp.float32)
    return {"x": x, "eye": eye}

def reference(x, eye):
    # torch.eye(self.n_cat)[x] -> row gather from identity matrix
    return jnp.take(eye, x, axis=0)

if __name__ == "__main__":
    import jax
    _d = setup_inputs()
    print(jax.jit(kernel)(*tuple(_d.values())))

</pallas_src>

<mosaic_0001>
#map = affine_map<(d0, d1) -> (0)>
#map1 = affine_map<(d0, d1) -> (0, 0, 0)>
module attributes {stable_mosaic.version = 14 : i64} {
  func.func @body(%arg0: i32, %arg1: i32, %arg2: memref<106496xi32, #tpu.memory_space<hbm>>, %arg3: memref<26x1000x4096xf32, #tpu.memory_space<hbm>>, %arg4: memref<128xi32, #tpu.memory_space<vmem>>, %arg5: memref<128xi32, #tpu.memory_space<vmem>>, %arg6: memref<1x496x128xf32, #tpu.memory_space<vmem>>, %arg7: memref<1x504x128xf32, #tpu.memory_space<vmem>>, %arg8: memref<!tpu.dma_semaphore, #tpu.memory_space<semaphore_mem>>, %arg9: memref<!tpu.dma_semaphore, #tpu.memory_space<semaphore_mem>>, %arg10: memref<!tpu.dma_semaphore, #tpu.memory_space<semaphore_mem>>, %arg11: memref<!tpu.dma_semaphore, #tpu.memory_space<semaphore_mem>>) attributes {dimension_semantics = [#tpu.dimension_semantics<core_parallel>, #tpu.dimension_semantics<subcore_parallel>], iteration_bounds = array<i64: 2, 16>, scalar_prefetch = 0 : i64, scratch_operands = 8 : i64, tpu.core_type = #tpu.core_type<sc_vector_subcore>, window_params = [{transform_indices = #map}, {transform_indices = #map1}]} {
    %mul3A = arith.constant 2 : i32
    %mul3A_0 = arith.muli %arg1, %mul3A : i32
    %add3A = arith.addi %mul3A_0, %arg0 : i32
    %mul3A_1 = arith.constant 128 : i32
    %mul3A_2 = arith.muli %add3A, %mul3A_1 : i32
    %broadcast_in_dim3A = arith.constant 0.000000e+00 : f32
    %broadcast_in_dim3A_3 = vector.broadcast %broadcast_in_dim3A : f32 to vector<16xf32>
    %broadcast_in_dim3A_4 = arith.constant 1.000000e+00 : f32
    %broadcast_in_dim3A_5 = vector.broadcast %broadcast_in_dim3A_4 : f32 to vector<16xf32>
    %iota3A = tpu.iota {dimensions = array<i32: 0>} : vector<16xi32>
    %broadcast_in_dim3A_6 = arith.constant 0 : i32
    %broadcast_in_dim3A_7 = vector.broadcast %broadcast_in_dim3A_6 : i32 to vector<16xi32>
    %add3A_8 = arith.constant 0 : i32
    %add3A_9 = arith.addi %add3A_8, %mul3A_2 : i32
    %dma_start3A = tpu.memref_slice %arg2[%add3A_9] : memref<106496xi32, #tpu.memory_space<hbm>> -> memref<128xi32, #tpu.memory_space<hbm>>
    %dma_start3A_10 = tpu.memref_slice %arg2[%add3A_9] : memref<106496xi32, #tpu.memory_space<hbm>> -> memref<128xi32, #tpu.memory_space<hbm>>
    tpu.enqueue_dma source(%dma_start3A_10 : memref<128xi32, #tpu.memory_space<hbm>>) target(%arg4 : memref<128xi32, #tpu.memory_space<vmem>>) target_semaphore(%arg8 : memref<!tpu.dma_semaphore, #tpu.memory_space<semaphore_mem>>)
    %scan3A = arith.constant 0 : i32
    %scan3A_11 = arith.constant 0 : i32
    %scan3A_12 = arith.constant 504 : i32
    %scan3A_13 = arith.addi %scan3A_11, %scan3A_12 : i32
    %scan3A_14 = arith.constant 1 : i32
    scf.for %scan3A_531 = %scan3A_11 to %scan3A_13 step %scan3A_14  : i32 {
      %swap3A = arith.constant 0 : i32
      %swap3A_532 = arith.index_cast %swap3A : i32 to index
      %swap3A_533 = arith.index_cast %scan3A_531 : i32 to index
      %swap3A_534 = arith.constant 0 : index
      %swap3A_535 = tpu.vector_load %arg7[%swap3A_532, %swap3A_533, %swap3A_534] {strides = array<i32>} : memref<1x504x128xf32, #tpu.memory_space<vmem>>, vector<16xf32>,
      tpu.vector_store %arg7[%swap3A_532, %swap3A_533, %swap3A_534], %broadcast_in_dim3A_3 {strides = array<i32>} : memref<1x504x128xf32, #tpu.memory_space<vmem>>, vector<16xf32>,
      %swap3A_536 = arith.constant 0 : i32
      %swap3A_537 = arith.index_cast %swap3A_536 : i32 to index
      %swap3A_538 = arith.index_cast %scan3A_531 : i32 to index
      %swap3A_539 = arith.constant 16 : index
      %swap3A_540 = tpu.vector_load %arg7[%swap3A_537, %swap3A_538, %swap3A_539] {strides = array<i32>} : memref<1x504x128xf32, #tpu.memory_space<vmem>>, vector<16xf32>,
      tpu.vector_store %arg7[%swap3A_537, %swap3A_538, %swap3A_539], %broadcast_in_dim3A_3 {strides = array<i32>} : memref<1x504x128xf32, #tpu.memory_space<vmem>>, vector<16xf32>,
      %swap3A_541 = arith.constant 0 : i32
      %swap3A_542 = arith.index_cast %swap3A_541 : i32 to index
      %swap3A_543 = arith.index_cast %scan3A_531 : i32 to index
      %swap3A_544 = arith.constant 32 : index
      %swap3A_545 = tpu.vector_load %arg7[%swap3A_542, %swap3A_543, %swap3A_544] {strides = array<i32>} : memref<1x504x128xf32, #tpu.memory_space<vmem>>, vector<16xf32>,
      tpu.vector_store %arg7[%swap3A_542, %swap3A_543, %swap3A_544], %broadcast_in_dim3A_3 {strides = array<i32>} : memref<1x504x128xf32, #tpu.memory_space<vmem>>, vector<16xf32>,
      %swap3A_546 = arith.constant 0 : i32
      %swap3A_547 = arith.index_cast %swap3A_546 : i32 to index
      %swap3A_548 = arith.index_cast %scan3A_531 : i32 to index
      %swap3A_549 = arith.constant 48 : index
      %swap3A_550 = tpu.vector_load %arg7[%swap3A_547, %swap3A_548, %swap3A_549] {strides = array<i32>} : memref<1x504x128xf32, #tpu.memory_space<vmem>>, vector<16xf32>,
      tpu.vector_store %arg7[%swap3A_547, %swap3A_548, %swap3A_549], %broadcast_in_dim3A_3 {strides = array<i32>} : memref<1x504x128xf32, #tpu.memory_space<vmem>>, vector<16xf32>,
      %swap3A_551 = arith.constant 0 : i32
      %swap3A_552 = arith.index_cast %swap3A_551 : i32 to index
      %swap3A_553 = arith.index_cast %scan3A_531 : i32 to index
      %swap3A_554 = arith.constant 64 : index
      %swap3A_555 = tpu.vector_load %arg7[%swap3A_552, %swap3A_553, %swap3A_554] {strides = array<i32>} : memref<1x504x128xf32, #tpu.memory_space<vmem>>, vector<16xf32>,
      tpu.vector_store %arg7[%swap3A_552, %swap3A_553, %swap3A_554], %broadcast_in_dim3A_3 {strides = array<i32>} : memref<1x504x128xf32, #tpu.memory_space<vmem>>, vector<16xf32>,
      %swap3A_556 = arith.constant 0 : i32
      %swap3A_557 = arith.index_cast %swap3A_556 : i32 to index
      %swap3A_558 = arith.index_cast %scan3A_531 : i32 to index
      %swap3A_559 = arith.constant 80 : index
      %swap3A_560 = tpu.vector_load %arg7[%swap3A_557, %swap3A_558, %swap3A_559] {strides = array<i32>} : memref<1x504x128xf32, #tpu.memory_space<vmem>>, vector<16xf32>,
      tpu.vector_store %arg7[%swap3A_557, %swap3A_558, %swap3A_559], %broadcast_in_dim3A_3 {strides = array<i32>} : memref<1x504x128xf32, #tpu.memory_space<vmem>>, vector<16xf32>,
      %swap3A_561 = arith.constant 0 : i32
      %swap3A_562 = arith.index_cast %swap3A_561 : i32 to index
      %swap3A_563 = arith.index_cast %scan3A_531 : i32 to index
      %swap3A_564 = arith.constant 96 : index
      %swap3A_565 = tpu.vector_load %arg7[%swap3A_562, %swap3A_563, %swap3A_564] {strides = array<i32>} : memref<1x504x128xf32, #tpu.memory_space<vmem>>, vector<16xf32>,
      tpu.vector_store %arg7[%swap3A_562, %swap3A_563, %swap3A_564], %broadcast_in_dim3A_3 {strides = array<i32>} : memref<1x504x128xf32, #tpu.memory_space<vmem>>, vector<16xf32>,
      %swap3A_566 = arith.constant 0 : i32
      %swap3A_567 = arith.index_cast %swap3A_566 : i32 to index
      %swap3A_568 = arith.index_cast %scan3A_531 : i32 to index
      %swap3A_569 = arith.constant 112 : index
      %swap3A_570 = tpu.vector_load %arg7[%swap3A_567, %swap3A_568, %swap3A_569] {strides = array<i32>} : memref<1x504x128xf32, #tpu.memory_space<vmem>>, vector<16xf32>,
      tpu.vector_store %arg7[%swap3A_567, %swap3A_568, %swap3A_569], %broadcast_in_dim3A_3 {strides = array<i32>} : memref<1x504x128xf32, #tpu.memory_space<vmem>>, vector<16xf32>,
      %lt3A_571 = arith.constant 496 : i32
      %lt3A_572 = arith.cmpi slt, %scan3A_531, %lt3A_571 : i32
      %convert_element_type3A = arith.extui %lt3A_572 : i1 to i32
      %cond3A = arith.constant 0 : i32
      %cond3A_573 = arith.cmpi ne, %convert_element_type3A, %cond3A : i32
      scf.if %cond3A_573 {
        %swap3A_574 = arith.constant 0 : i32
        %swap3A_575 = arith.index_cast %swap3A_574 : i32 to index
        %swap3A_576 = arith.index_cast %scan3A_531 : i32 to index
        %swap3A_577 = arith.constant 0 : index
        %swap3A_578 = tpu.vector_load %arg6[%swap3A_575, %swap3A_576, %swap3A_577] {strides = array<i32>} : memref<1x496x128xf32, #tpu.memory_space<vmem>>, vector<16xf32>,
        tpu.vector_store %arg6[%swap3A_575, %swap3A_576, %swap3A_577], %broadcast_in_dim3A_3 {strides = array<i32>} : memref<1x496x128xf32, #tpu.memory_space<vmem>>, vector<16xf32>,
        %swap3A_579 = arith.constant 0 : i32
        %swap3A_580 = arith.index_cast %swap3A_579 : i32 to index
        %swap3A_581 = arith.index_cast %scan3A_531 : i32 to index
        %swap3A_582 = arith.constant 16 : index
        %swap3A_583 = tpu.vector_load %arg6[%swap3A_580, %swap3A_581, %swap3A_582] {strides = array<i32>} : memref<1x496x128xf32, #tpu.memory_space<vmem>>, vector<16xf32>,
        tpu.vector_store %arg6[%swap3A_580, %swap3A_581, %swap3A_582], %broadcast_in_dim3A_3 {strides = array<i32>} : memref<1x496x128xf32, #tpu.memory_space<vmem>>, vector<16xf32>,
        %swap3A_584 = arith.constant 0 : i32
        %swap3A_585 = arith.index_cast %swap3A_584 : i32 to index
        %swap3A_586 = arith.index_cast %scan3A_531 : i32 to index
        %swap3A_587 = arith.constant 32 : index
        %swap3A_588 = tpu.vector_load %arg6[%swap3A_585, %swap3A_586, %swap3A_587] {strides = array<i32>} : memref<1x496x128xf32, #tpu.memory_space<vmem>>, vector<16xf32>,
        tpu.vector_store %arg6[%swap3A_585, %swap3A_586, %swap3A_587], %broadcast_in_dim3A_3 {strides = array<i32>} : memref<1x496x128xf32, #tpu.memory_space<vmem>>, vector<16xf32>,
        %swap3A_589 = arith.constant 0 : i32
        %swap3A_590 = arith.index_cast %swap3A_589 : i32 to index
        %swap3A_591 = arith.index_cast %scan3A_531 : i32 to index
        %swap3A_592 = arith.constant 48 : index
        %swap3A_593 = tpu.vector_load %arg6[%swap3A_590, %swap3A_591, %swap3A_592] {strides = array<i32>} : memref<1x496x128xf32, #tpu.memory_space<vmem>>, vector<16xf32>,
        tpu.vector_store %arg6[%swap3A_590, %swap3A_591, %swap3A_592], %broadcast_in_dim3A_3 {strides = array<i32>} : memref<1x496x128xf32, #tpu.memory_space<vmem>>, vector<16xf32>,
        %swap3A_594 = arith.constant 0 : i32
        %swap3A_595 = arith.index_cast %swap3A_594 : i32 to index
        %swap3A_596 = arith.index_cast %scan3A_531 : i32 to index
        %swap3A_597 = arith.constant 64 : index
        %swap3A_598 = tpu.vector_load %arg6[%swap3A_595, %swap3A_596, %swap3A_597] {strides = array<i32>} : memref<1x496x128xf32, #tpu.memory_space<vmem>>, vector<16xf32>,
        tpu.vector_store %arg6[%swap3A_595, %swap3A_596, %swap3A_597], %broadcast_in_dim3A_3 {strides = array<i32>} : memref<1x496x128xf32, #tpu.memory_space<vmem>>, vector<16xf32>,
        %swap3A_599 = arith.constant 0 : i32
        %swap3A_600 = arith.index_cast %swap3A_599 : i32 to index
        %swap3A_601 = arith.index_cast %scan3A_531 : i32 to index
        %swap3A_602 = arith.constant 80 : index
        %swap3A_603 = tpu.vector_load %arg6[%swap3A_600, %swap3A_601, %swap3A_602] {strides = array<i32>} : memref<1x496x128xf32, #tpu.memory_space<vmem>>, vector<16xf32>,
        tpu.vector_store %arg6[%swap3A_600, %swap3A_601, %swap3A_602], %broadcast_in_dim3A_3 {strides = array<i32>} : memref<1x496x128xf32, #tpu.memory_space<vmem>>, vector<16xf32>,
        %swap3A_604 = arith.constant 0 : i32
        %swap3A_605 = arith.index_cast %swap3A_604 : i32 to index
        %swap3A_606 = arith.index_cast %scan3A_531 : i32 to index
        %swap3A_607 = arith.constant 96 : index
        %swap3A_608 = tpu.vector_load %arg6[%swap3A_605, %swap3A_606, %swap3A_607] {strides = array<i32>} : memref<1x496x128xf32, #tpu.memory_space<vmem>>, vector<16xf32>,
        tpu.vector_store %arg6[%swap3A_605, %swap3A_606, %swap3A_607], %broadcast_in_dim3A_3 {strides = array<i32>} : memref<1x496x128xf32, #tpu.memory_space<vmem>>, vector<16xf32>,
        %swap3A_609 = arith.constant 0 : i32
        %swap3A_610 = arith.index_cast %swap3A_609 : i32 to index
        %swap3A_611 = arith.index_cast %scan3A_531 : i32 to index
        %swap3A_612 = arith.constant 112 : index
        %swap3A_613 = tpu.vector_load %arg6[%swap3A_610, %swap3A_611, %swap3A_612] {strides = array<i32>} : memref<1x496x128xf32, #tpu.memory_space<vmem>>, vector<16xf32>,
        tpu.vector_store %arg6[%swap3A_610, %swap3A_611, %swap3A_612], %broadcast_in_dim3A_3 {strides = array<i32>} : memref<1x496x128xf32, #tpu.memory_space<vmem>>, vector<16xf32>,
      } else {
      }
    }
    %scan3A_15 = arith.constant 504 : i32
    %add3A_16 = arith.constant 0 : i32
    %add3A_17 = arith.addi %add3A_16, %mul3A_2 : i32
    %dma_wait3A = tpu.memref_slice %arg2[%add3A_17] : memref<106496xi32, #tpu.memory_space<hbm>> -> memref<128xi32, #tpu.memory_space<hbm>>
    %dma_wait3A_18 = tpu.memref_slice %arg2[%add3A_17] : memref<106496xi32, #tpu.memory_space<hbm>> -> memref<128xi32, #tpu.memory_space<hbm>>
    tpu.wait_dma2 semaphore(%arg8 : memref<!tpu.dma_semaphore, #tpu.memory_space<semaphore_mem>>) src(%dma_wait3A_18 : memref<128xi32, #tpu.memory_space<hbm>>) dst(%arg4 : memref<128xi32, #tpu.memory_space<vmem>>)
    %get3A = arith.constant 0 : index
    %get3A_19 = tpu.vector_load %arg4[%get3A] {strides = array<i32>} : memref<128xi32, #tpu.memory_space<vmem>>, vector<16xi32>,
    %add3A_20 = arith.constant 0 : i32
    %add3A_21 = vector.broadcast %add3A_20 : i32 to vector<16xi32>
    %add3A_22 = arith.addi %iota3A, %add3A_21 : vector<16xi32>
    %lt3A = arith.constant 496 : i32
    %lt3A_23 = vector.broadcast %lt3A : i32 to vector<16xi32>
    %lt3A_24 = arith.cmpi slt, %get3A_19, %lt3A_23 : vector<16xi32>
    %min3A = arith.constant 495 : i32
    %min3A_25 = vector.broadcast %min3A : i32 to vector<16xi32>
    %min3A_26 = arith.minsi %get3A_19, %min3A_25 : vector<16xi32>
    %sub3A = arith.constant 496 : i32
    %sub3A_27 = vector.broadcast %sub3A : i32 to vector<16xi32>
    %sub3A_28 = arith.subi %get3A_19, %sub3A_27 : vector<16xi32>
    %max3A = arith.constant 0 : i32
    %max3A_29 = vector.broadcast %max3A : i32 to vector<16xi32>
    %max3A_30 = arith.maxsi %sub3A_28, %max3A_29 : vector<16xi32>
    tpu.vector_store_idx %arg6[%broadcast_in_dim3A_7, %min3A_26, %add3A_22], %broadcast_in_dim3A_5 masked %lt3A_24 : memref<1x496x128xf32, #tpu.memory_space<vmem>>[vector<16xi32>, vector<16xi32>, vector<16xi32>], vector<16xf32>, vector<16xi1>
    %not3A = arith.constant dense<true> : vector<16xi1>
    %not3A_31 = arith.xori %lt3A_24, %not3A : vector<16xi1>
    tpu.vector_store_idx %arg7[%broadcast_in_dim3A_7, %max3A_30, %add3A_22], %broadcast_in_dim3A_5 masked %not3A_31 : memref<1x504x128xf32, #tpu.memory_space<vmem>>[vector<16xi32>, vector<16xi32>, vector<16xi32>], vector<16xf32>, vector<16xi1>
    %get3A_32 = arith.constant 16 : index
    %get3A_33 = tpu.vector_load %arg4[%get3A_32] {strides = array<i32>} : memref<128xi32, #tpu.memory_space<vmem>>, vector<16xi32>,
    %add3A_34 = arith.constant 16 : i32
    %add3A_35 = vector.broadcast %add3A_34 : i32 to vector<16xi32>
    %add3A_36 = arith.addi %iota3A, %add3A_35 : vector<16xi32>
    %lt3A_37 = arith.constant 496 : i32
    %lt3A_38 = vector.broadcast %lt3A_37 : i32 to vector<16xi32>
    %lt3A_39 = arith.cmpi slt, %get3A_33, %lt3A_38 : vector<16xi32>
    %min3A_40 = arith.constant 495 : i32
    %min3A_41 = vector.broadcast %min3A_40 : i32 to vector<16xi32>
    %min3A_42 = arith.minsi %get3A_33, %min3A_41 : vector<16xi32>
    %sub3A_43 = arith.constant 496 : i32
    %sub3A_44 = vector.broadcast %sub3A_43 : i32 to vector<16xi32>
    %sub3A_45 = arith.subi %get3A_33, %sub3A_44 : vector<16xi32>
    %max3A_46 = arith.constant 0 : i32
    %max3A_47 = vector.broadcast %max3A_46 : i32 to vector<16xi32>
    %max3A_48 = arith.maxsi %sub3A_45, %max3A_47 : vector<16xi32>
    tpu.vector_store_idx %arg6[%broadcast_in_dim3A_7, %min3A_42, %add3A_36], %broadcast_in_dim3A_5 masked %lt3A_39 : memref<1x496x128xf32, #tpu.memory_space<vmem>>[vector<16xi32>, vector<16xi32>, vector<16xi32>], vector<16xf32>, vector<16xi1>
    %not3A_49 = arith.constant dense<true> : vector<16xi1>
    %not3A_50 = arith.xori %lt3A_39, %not3A_49 : vector<16xi1>
    tpu.vector_store_idx %arg7[%broadcast_in_dim3A_7, %max3A_48, %add3A_36], %broadcast_in_dim3A_5 masked %not3A_50 : memref<1x504x128xf32, #tpu.memory_space<vmem>>[vector<16xi32>, vector<16xi32>, vector<16xi32>], vector<16xf32>, vector<16xi1>
    %get3A_51 = arith.constant 32 : index
    %get3A_52 = tpu.vector_load %arg4[%get3A_51] {strides = array<i32>} : memref<128xi32, #tpu.memory_space<vmem>>, vector<16xi32>,
    %add3A_53 = arith.constant 32 : i32
    %add3A_54 = vector.broadcast %add3A_53 : i32 to vector<16xi32>
    %add3A_55 = arith.addi %iota3A, %add3A_54 : vector<16xi32>
    %lt3A_56 = arith.constant 496 : i32
    %lt3A_57 = vector.broadcast %lt3A_56 : i32 to vector<16xi32>
    %lt3A_58 = arith.cmpi slt, %get3A_52, %lt3A_57 : vector<16xi32>
    %min3A_59 = arith.constant 495 : i32
    %min3A_60 = vector.broadcast %min3A_59 : i32 to vector<16xi32>
    %min3A_61 = arith.minsi %get3A_52, %min3A_60 : vector<16xi32>
    %sub3A_62 = arith.constant 496 : i32
    %sub3A_63 = vector.broadcast %sub3A_62 : i32 to vector<16xi32>
    %sub3A_64 = arith.subi %get3A_52, %sub3A_63 : vector<16xi32>
    %max3A_65 = arith.constant 0 : i32
    %max3A_66 = vector.broadcast %max3A_65 : i32 to vector<16xi32>
    %max3A_67 = arith.maxsi %sub3A_64, %max3A_66 : vector<16xi32>
    tpu.vector_store_idx %arg6[%broadcast_in_dim3A_7, %min3A_61, %add3A_55], %broadcast_in_dim3A_5 masked %lt3A_58 : memref<1x496x128xf32, #tpu.memory_space<vmem>>[vector<16xi32>, vector<16xi32>, vector<16xi32>], vector<16xf32>, vector<16xi1>
    %not3A_68 = arith.constant dense<true> : vector<16xi1>
    %not3A_69 = arith.xori %lt3A_58, %not3A_68 : vector<16xi1>
    tpu.vector_store_idx %arg7[%broadcast_in_dim3A_7, %max3A_67, %add3A_55], %broadcast_in_dim3A_5 masked %not3A_69 : memref<1x504x128xf32, #tpu.memory_space<vmem>>[vector<16xi32>, vector<16xi32>, vector<16xi32>], vector<16xf32>, vector<16xi1>
    %get3A_70 = arith.constant 48 : index
    %get3A_71 = tpu.vector_load %arg4[%get3A_70] {strides = array<i32>} : memref<128xi32, #tpu.memory_space<vmem>>, vector<16xi32>,
    %add3A_72 = arith.constant 48 : i32
    %add3A_73 = vector.broadcast %add3A_72 : i32 to vector<16xi32>
    %add3A_74 = arith.addi %iota3A, %add3A_73 : vector<16xi32>
    %lt3A_75 = arith.constant 496 : i32
    %lt3A_76 = vector.broadcast %lt3A_75 : i32 to vector<16xi32>
    %lt3A_77 = arith.cmpi slt, %get3A_71, %lt3A_76 : vector<16xi32>
    %min3A_78 = arith.constant 495 : i32
    %min3A_79 = vector.broadcast %min3A_78 : i32 to vector<16xi32>
    %min3A_80 = arith.minsi %get3A_71, %min3A_79 : vector<16xi32>
    %sub3A_81 = arith.constant 496 : i32
    %sub3A_82 = vector.broadcast %sub3A_81 : i32 to vector<16xi32>
    %sub3A_83 = arith.subi %get3A_71, %sub3A_82 : vector<16xi32>
    %max3A_84 = arith.constant 0 : i32
    %max3A_85 = vector.broadcast %max3A_84 : i32 to vector<16xi32>
    %max3A_86 = arith.maxsi %sub3A_83, %max3A_85 : vector<16xi32>
    tpu.vector_store_idx %arg6[%broadcast_in_dim3A_7, %min3A_80, %add3A_74], %broadcast_in_dim3A_5 masked %lt3A_77 : memref<1x496x128xf32, #tpu.memory_space<vmem>>[vector<16xi32>, vector<16xi32>, vector<16xi32>], vector<16xf32>, vector<16xi1>
    %not3A_87 = arith.constant dense<true> : vector<16xi1>
    %not3A_88 = arith.xori %lt3A_77, %not3A_87 : vector<16xi1>
    tpu.vector_store_idx %arg7[%broadcast_in_dim3A_7, %max3A_86, %add3A_74], %broadcast_in_dim3A_5 masked %not3A_88 : memref<1x504x128xf32, #tpu.memory_space<vmem>>[vector<16xi32>, vector<16xi32>, vector<16xi32>], vector<16xf32>, vector<16xi1>
    %get3A_89 = arith.constant 64 : index
    %get3A_90 = tpu.vector_load %arg4[%get3A_89] {strides = array<i32>} : memref<128xi32, #tpu.memory_space<vmem>>, vector<16xi32>,
    %add3A_91 = arith.constant 64 : i32
    %add3A_92 = vector.broadcast %add3A_91 : i32 to vector<16xi32>
    %add3A_93 = arith.addi %iota3A, %add3A_92 : vector<16xi32>
    %lt3A_94 = arith.constant 496 : i32
    %lt3A_95 = vector.broadcast %lt3A_94 : i32 to vector<16xi32>
    %lt3A_96 = arith.cmpi slt, %get3A_90, %lt3A_95 : vector<16xi32>
    %min3A_97 = arith.constant 495 : i32
    %min3A_98 = vector.broadcast %min3A_97 : i32 to vector<16xi32>
    %min3A_99 = arith.minsi %get3A_90, %min3A_98 : vector<16xi32>
    %sub3A_100 = arith.constant 496 : i32
    %sub3A_101 = vector.broadcast %sub3A_100 : i32 to vector<16xi32>
    %sub3A_102 = arith.subi %get3A_90, %sub3A_101 : vector<16xi32>
    %max3A_103 = arith.constant 0 : i32
    %max3A_104 = vector.broadcast %max3A_103 : i32 to vector<16xi32>
    %max3A_105 = arith.maxsi %sub3A_102, %max3A_104 : vector<16xi32>
    tpu.vector_store_idx %arg6[%broadcast_in_dim3A_7, %min3A_99, %add3A_93], %broadcast_in_dim3A_5 masked %lt3A_96 : memref<1x496x128xf32, #tpu.memory_space<vmem>>[vector<16xi32>, vector<16xi32>, vector<16xi32>], vector<16xf32>, vector<16xi1>
    %not3A_106 = arith.constant dense<true> : vector<16xi1>
    %not3A_107 = arith.xori %lt3A_96, %not3A_106 : vector<16xi1>
    tpu.vector_store_idx %arg7[%broadcast_in_dim3A_7, %max3A_105, %add3A_93], %broadcast_in_dim3A_5 masked %not3A_107 : memref<1x504x128xf32, #tpu.memory_space<vmem>>[vector<16xi32>, vector<16xi32>, vector<16xi32>], vector<16xf32>, vector<16xi1>
    %get3A_108 = arith.constant 80 : index
    %get3A_109 = tpu.vector_load %arg4[%get3A_108] {strides = array<i32>} : memref<128xi32, #tpu.memory_space<vmem>>, vector<16xi32>,
    %add3A_110 = arith.constant 80 : i32
    %add3A_111 = vector.broadcast %add3A_110 : i32 to vector<16xi32>
    %add3A_112 = arith.addi %iota3A, %add3A_111 : vector<16xi32>
    %lt3A_113 = arith.constant 496 : i32
    %lt3A_114 = vector.broadcast %lt3A_113 : i32 to vector<16xi32>
    %lt3A_115 = arith.cmpi slt, %get3A_109, %lt3A_114 : vector<16xi32>
    %min3A_116 = arith.constant 495 : i32
    %min3A_117 = vector.broadcast %min3A_116 : i32 to vector<16xi32>
    %min3A_118 = arith.minsi %get3A_109, %min3A_117 : vector<16xi32>
    %sub3A_119 = arith.constant 496 : i32
    %sub3A_120 = vector.broadcast %sub3A_119 : i32 to vector<16xi32>
    %sub3A_121 = arith.subi %get3A_109, %sub3A_120 : vector<16xi32>
    %max3A_122 = arith.constant 0 : i32
    %max3A_123 = vector.broadcast %max3A_122 : i32 to vector<16xi32>
    %max3A_124 = arith.maxsi %sub3A_121, %max3A_123 : vector<16xi32>
    tpu.vector_store_idx %arg6[%broadcast_in_dim3A_7, %min3A_118, %add3A_112], %broadcast_in_dim3A_5 masked %lt3A_115 : memref<1x496x128xf32, #tpu.memory_space<vmem>>[vector<16xi32>, vector<16xi32>, vector<16xi32>], vector<16xf32>, vector<16xi1>
    %not3A_125 = arith.constant dense<true> : vector<16xi1>
    %not3A_126 = arith.xori %lt3A_115, %not3A_125 : vector<16xi1>
    tpu.vector_store_idx %arg7[%broadcast_in_dim3A_7, %max3A_124, %add3A_112], %broadcast_in_dim3A_5 masked %not3A_126 : memref<1x504x128xf32, #tpu.memory_space<vmem>>[vector<16xi32>, vector<16xi32>, vector<16xi32>], vector<16xf32>, vector<16xi1>
    %get3A_127 = arith.constant 96 : index
    %get3A_128 = tpu.vector_load %arg4[%get3A_127] {strides = array<i32>} : memref<128xi32, #tpu.memory_space<vmem>>, vector<16xi32>,
    %add3A_129 = arith.constant 96 : i32
    %add3A_130 = vector.broadcast %add3A_129 : i32 to vector<16xi32>
    %add3A_131 = arith.addi %iota3A, %add3A_130 : vector<16xi32>
    %lt3A_132 = arith.constant 496 : i32
    %lt3A_133 = vector.broadcast %lt3A_132 : i32 to vector<16xi32>
    %lt3A_134 = arith.cmpi slt, %get3A_128, %lt3A_133 : vector<16xi32>
    %min3A_135 = arith.constant 495 : i32
    %min3A_136 = vector.broadcast %min3A_135 : i32 to vector<16xi32>
    %min3A_137 = arith.minsi %get3A_128, %min3A_136 : vector<16xi32>
    %sub3A_138 = arith.constant 496 : i32
    %sub3A_139 = vector.broadcast %sub3A_138 : i32 to vector<16xi32>
    %sub3A_140 = arith.subi %get3A_128, %sub3A_139 : vector<16xi32>
    %max3A_141 = arith.constant 0 : i32
    %max3A_142 = vector.broadcast %max3A_141 : i32 to vector<16xi32>
    %max3A_143 = arith.maxsi %sub3A_140, %max3A_142 : vector<16xi32>
    tpu.vector_store_idx %arg6[%broadcast_in_dim3A_7, %min3A_137, %add3A_131], %broadcast_in_dim3A_5 masked %lt3A_134 : memref<1x496x128xf32, #tpu.memory_space<vmem>>[vector<16xi32>, vector<16xi32>, vector<16xi32>], vector<16xf32>, vector<16xi1>
    %not3A_144 = arith.constant dense<true> : vector<16xi1>
    %not3A_145 = arith.xori %lt3A_134, %not3A_144 : vector<16xi1>
    tpu.vector_store_idx %arg7[%broadcast_in_dim3A_7, %max3A_143, %add3A_131], %broadcast_in_dim3A_5 masked %not3A_145 : memref<1x504x128xf32, #tpu.memory_space<vmem>>[vector<16xi32>, vector<16xi32>, vector<16xi32>], vector<16xf32>, vector<16xi1>
    %get3A_146 = arith.constant 112 : index
    %get3A_147 = tpu.vector_load %arg4[%get3A_146] {strides = array<i32>} : memref<128xi32, #tpu.memory_space<vmem>>, vector<16xi32>,
    %add3A_148 = arith.constant 112 : i32
    %add3A_149 = vector.broadcast %add3A_148 : i32 to vector<16xi32>
    %add3A_150 = arith.addi %iota3A, %add3A_149 : vector<16xi32>
    %lt3A_151 = arith.constant 496 : i32
    %lt3A_152 = vector.broadcast %lt3A_151 : i32 to vector<16xi32>
    %lt3A_153 = arith.cmpi slt, %get3A_147, %lt3A_152 : vector<16xi32>
    %min3A_154 = arith.constant 495 : i32
    %min3A_155 = vector.broadcast %min3A_154 : i32 to vector<16xi32>
    %min3A_156 = arith.minsi %get3A_147, %min3A_155 : vector<16xi32>
    %sub3A_157 = arith.constant 496 : i32
    %sub3A_158 = vector.broadcast %sub3A_157 : i32 to vector<16xi32>
    %sub3A_159 = arith.subi %get3A_147, %sub3A_158 : vector<16xi32>
    %max3A_160 = arith.constant 0 : i32
    %max3A_161 = vector.broadcast %max3A_160 : i32 to vector<16xi32>
    %max3A_162 = arith.maxsi %sub3A_159, %max3A_161 : vector<16xi32>
    tpu.vector_store_idx %arg6[%broadcast_in_dim3A_7, %min3A_156, %add3A_150], %broadcast_in_dim3A_5 masked %lt3A_153 : memref<1x496x128xf32, #tpu.memory_space<vmem>>[vector<16xi32>, vector<16xi32>, vector<16xi32>], vector<16xf32>, vector<16xi1>
    %not3A_163 = arith.constant dense<true> : vector<16xi1>
    %not3A_164 = arith.xori %lt3A_153, %not3A_163 : vector<16xi1>
    tpu.vector_store_idx %arg7[%broadcast_in_dim3A_7, %max3A_162, %add3A_150], %broadcast_in_dim3A_5 masked %not3A_164 : memref<1x504x128xf32, #tpu.memory_space<vmem>>[vector<16xi32>, vector<16xi32>, vector<16xi32>], vector<16xf32>, vector<16xi1>
    %dma_start3A_165 = arith.constant 0 : i32
    %dma_start3A_166 = arith.constant 0 : i32
    %dma_start3A_167 = tpu.memref_slice %arg3[%dma_start3A_165, %dma_start3A_166, %mul3A_2] : memref<26x1000x4096xf32, #tpu.memory_space<hbm>> -> memref<1x496x128xf32, #tpu.memory_space<hbm>>
    %dma_start3A_168 = arith.constant 0 : i32
    %dma_start3A_169 = arith.constant 0 : i32
    %dma_start3A_170 = tpu.memref_slice %arg3[%dma_start3A_168, %dma_start3A_169, %mul3A_2] : memref<26x1000x4096xf32, #tpu.memory_space<hbm>> -> memref<1x496x128xf32, #tpu.memory_space<hbm>>
    tpu.enqueue_dma source(%arg6 : memref<1x496x128xf32, #tpu.memory_space<vmem>>) target(%dma_start3A_170 : memref<1x496x128xf32, #tpu.memory_space<hbm>>) target_semaphore(%arg10 : memref<!tpu.dma_semaphore, #tpu.memory_space<semaphore_mem>>)
    %dma_start3A_171 = arith.constant 0 : i32
    %dma_start3A_172 = arith.constant 496 : i32
    %dma_start3A_173 = tpu.memref_slice %arg3[%dma_start3A_171, %dma_start3A_172, %mul3A_2] : memref<26x1000x4096xf32, #tpu.memory_space<hbm>> -> memref<1x504x128xf32, #tpu.memory_space<hbm>>
    %dma_start3A_174 = arith.constant 0 : i32
    %dma_start3A_175 = arith.constant 496 : i32
    %dma_start3A_176 = tpu.memref_slice %arg3[%dma_start3A_174, %dma_start3A_175, %mul3A_2] : memref<26x1000x4096xf32, #tpu.memory_space<hbm>> -> memref<1x504x128xf32, #tpu.memory_space<hbm>>
    tpu.enqueue_dma source(%arg7 : memref<1x504x128xf32, #tpu.memory_space<vmem>>) target(%dma_start3A_176 : memref<1x504x128xf32, #tpu.memory_space<hbm>>) target_semaphore(%arg11 : memref<!tpu.dma_semaphore, #tpu.memory_space<semaphore_mem>>)
    %add3A_177 = arith.constant 4096 : i32
    %add3A_178 = arith.addi %add3A_177, %mul3A_2 : i32
    %dma_start3A_179 = tpu.memref_slice %arg2[%add3A_178] : memref<106496xi32, #tpu.memory_space<hbm>> -> memref<128xi32, #tpu.memory_space<hbm>>
    %dma_start3A_180 = tpu.memref_slice %arg2[%add3A_178] : memref<106496xi32, #tpu.memory_space<hbm>> -> memref<128xi32, #tpu.memory_space<hbm>>
    tpu.enqueue_dma source(%dma_start3A_180 : memref<128xi32, #tpu.memory_space<hbm>>) target(%arg5 : memref<128xi32, #tpu.memory_space<vmem>>) target_semaphore(%arg9 : memref<!tpu.dma_semaphore, #tpu.memory_space<semaphore_mem>>)
    %scan3A_181 = arith.constant 0 : i32
    %scan3A_182 = arith.constant 0 : i32
    %scan3A_183 = arith.constant 12 : i32
    %scan3A_184 = arith.addi %scan3A_182, %scan3A_183 : i32
    %scan3A_185 = arith.constant 1 : i32
    scf.for %scan3A_531 = %scan3A_182 to %scan3A_184 step %scan3A_185  : i32 {
      %mul3A_532 = arith.constant 2 : i32
      %mul3A_533 = arith.muli %scan3A_531, %mul3A_532 : i32
      %add3A_534 = arith.constant 1 : i32
      %add3A_535 = arith.addi %add3A_534, %mul3A_533 : i32
      %add3A_536 = arith.constant 0 : i32
      %add3A_537 = arith.addi %add3A_535, %add3A_536 : i32
      %dma_wait3A_538 = arith.constant 0 : i32
      %dma_wait3A_539 = tpu.memref_slice %arg3[%add3A_537, %dma_wait3A_538, %mul3A_2] : memref<26x1000x4096xf32, #tpu.memory_space<hbm>> -> memref<1x496x128xf32, #tpu.memory_space<hbm>>
      %dma_wait3A_540 = arith.constant 0 : i32
      %dma_wait3A_541 = tpu.memref_slice %arg3[%add3A_537, %dma_wait3A_540, %mul3A_2] : memref<26x1000x4096xf32, #tpu.memory_space<hbm>> -> memref<1x496x128xf32, #tpu.memory_space<hbm>>
      tpu.wait_dma2 semaphore(%arg10 : memref<!tpu.dma_semaphore, #tpu.memory_space<semaphore_mem>>) src(%arg6 : memref<1x496x128xf32, #tpu.memory_space<vmem>>) dst(%dma_wait3A_541 : memref<1x496x128xf32, #tpu.memory_space<hbm>>)
      %dma_wait3A_542 = arith.constant 496 : i32
      %dma_wait3A_543 = tpu.memref_slice %arg3[%add3A_537, %dma_wait3A_542, %mul3A_2] : memref<26x1000x4096xf32, #tpu.memory_space<hbm>> -> memref<1x504x128xf32, #tpu.memory_space<hbm>>
      %dma_wait3A_544 = arith.constant 496 : i32
      %dma_wait3A_545 = tpu.memref_slice %arg3[%add3A_537, %dma_wait3A_544, %mul3A_2] : memref<26x1000x4096xf32, #tpu.memory_space<hbm>> -> memref<1x504x128xf32, #tpu.memory_space<hbm>>
      tpu.wait_dma2 semaphore(%arg11 : memref<!tpu.dma_semaphore, #tpu.memory_space<semaphore_mem>>) src(%arg7 : memref<1x504x128xf32, #tpu.memory_space<vmem>>) dst(%dma_wait3A_545 : memref<1x504x128xf32, #tpu.memory_space<hbm>>)
      %get3A_546 = arith.constant 0 : index
      %get3A_547 = tpu.vector_load %arg4[%get3A_546] {strides = array<i32>} : memref<128xi32, #tpu.memory_space<vmem>>, vector<16xi32>,
      %add3A_548 = arith.constant 0 : i32
      %add3A_549 = vector.broadcast %add3A_548 : i32 to vector<16xi32>
      %add3A_550 = arith.addi %iota3A, %add3A_549 : vector<16xi32>
      %lt3A_551 = arith.constant 496 : i32
      %lt3A_552 = vector.broadcast %lt3A_551 : i32 to vector<16xi32>
      %lt3A_553 = arith.cmpi slt, %get3A_547, %lt3A_552 : vector<16xi32>
      %min3A_554 = arith.constant 495 : i32
      %min3A_555 = vector.broadcast %min3A_554 : i32 to vector<16xi32>
      %min3A_556 = arith.minsi %get3A_547, %min3A_555 : vector<16xi32>
      %sub3A_557 = arith.constant 496 : i32
      %sub3A_558 = vector.broadcast %sub3A_557 : i32 to vector<16xi32>
      %sub3A_559 = arith.subi %get3A_547, %sub3A_558 : vector<16xi32>
      %max3A_560 = arith.constant 0 : i32
      %max3A_561 = vector.broadcast %max3A_560 : i32 to vector<16xi32>
      %max3A_562 = arith.maxsi %sub3A_559, %max3A_561 : vector<16xi32>
      tpu.vector_store_idx %arg6[%broadcast_in_dim3A_7, %min3A_556, %add3A_550], %broadcast_in_dim3A_3 masked %lt3A_553 : memref<1x496x128xf32, #tpu.memory_space<vmem>>[vector<16xi32>, vector<16xi32>, vector<16xi32>], vector<16xf32>, vector<16xi1>
      %not3A_563 = arith.constant dense<true> : vector<16xi1>
      %not3A_564 = arith.xori %lt3A_553, %not3A_563 : vector<16xi1>
      tpu.vector_store_idx %arg7[%broadcast_in_dim3A_7, %max3A_562, %add3A_550], %broadcast_in_dim3A_3 masked %not3A_564 : memref<1x504x128xf32, #tpu.memory_space<vmem>>[vector<16xi32>, vector<16xi32>, vector<16xi32>], vector<16xf32>, vector<16xi1>
      %get3A_565 = arith.constant 16 : index
      %get3A_566 = tpu.vector_load %arg4[%get3A_565] {strides = array<i32>} : memref<128xi32, #tpu.memory_space<vmem>>, vector<16xi32>,
      %add3A_567 = arith.constant 16 : i32
      %add3A_568 = vector.broadcast %add3A_567 : i32 to vector<16xi32>
      %add3A_569 = arith.addi %iota3A, %add3A_568 : vector<16xi32>
      %lt3A_570 = arith.constant 496 : i32
      %lt3A_571 = vector.broadcast %lt3A_570 : i32 to vector<16xi32>
      %lt3A_572 = arith.cmpi slt, %get3A_566, %lt3A_571 : vector<16xi32>
      %min3A_573 = arith.constant 495 : i32
      %min3A_574 = vector.broadcast %min3A_573 : i32 to vector<16xi32>
      %min3A_575 = arith.minsi %get3A_566, %min3A_574 : vector<16xi32>
      %sub3A_576 = arith.constant 496 : i32
      %sub3A_577 = vector.broadcast %sub3A_576 : i32 to vector<16xi32>
      %sub3A_578 = arith.subi %get3A_566, %sub3A_577 : vector<16xi32>
      %max3A_579 = arith.constant 0 : i32
      %max3A_580 = vector.broadcast %max3A_579 : i32 to vector<16xi32>
      %max3A_581 = arith.maxsi %sub3A_578, %max3A_580 : vector<16xi32>
      tpu.vector_store_idx %arg6[%broadcast_in_dim3A_7, %min3A_575, %add3A_569], %broadcast_in_dim3A_3 masked %lt3A_572 : memref<1x496x128xf32, #tpu.memory_space<vmem>>[vector<16xi32>, vector<16xi32>, vector<16xi32>], vector<16xf32>, vector<16xi1>
      %not3A_582 = arith.constant dense<true> : vector<16xi1>
      %not3A_583 = arith.xori %lt3A_572, %not3A_582 : vector<16xi1>
      tpu.vector_store_idx %arg7[%broadcast_in_dim3A_7, %max3A_581, %add3A_569], %broadcast_in_dim3A_3 masked %not3A_583 : memref<1x504x128xf32, #tpu.memory_space<vmem>>[vector<16xi32>, vector<16xi32>, vector<16xi32>], vector<16xf32>, vector<16xi1>
      %get3A_584 = arith.constant 32 : index
      %get3A_585 = tpu.vector_load %arg4[%get3A_584] {strides = array<i32>} : memref<128xi32, #tpu.memory_space<vmem>>, vector<16xi32>,
      %add3A_586 = arith.constant 32 : i32
      %add3A_587 = vector.broadcast %add3A_586 : i32 to vector<16xi32>
      %add3A_588 = arith.addi %iota3A, %add3A_587 : vector<16xi32>
      %lt3A_589 = arith.constant 496 : i32
      %lt3A_590 = vector.broadcast %lt3A_589 : i32 to vector<16xi32>
      %lt3A_591 = arith.cmpi slt, %get3A_585, %lt3A_590 : vector<16xi32>
      %min3A_592 = arith.constant 495 : i32
      %min3A_593 = vector.broadcast %min3A_592 : i32 to vector<16xi32>
      %min3A_594 = arith.minsi %get3A_585, %min3A_593 : vector<16xi32>
      %sub3A_595 = arith.constant 496 : i32
      %sub3A_596 = vector.broadcast %sub3A_595 : i32 to vector<16xi32>
      %sub3A_597 = arith.subi %get3A_585, %sub3A_596 : vector<16xi32>
      %max3A_598 = arith.constant 0 : i32
      %max3A_599 = vector.broadcast %max3A_598 : i32 to vector<16xi32>
      %max3A_600 = arith.maxsi %sub3A_597, %max3A_599 : vector<16xi32>
      tpu.vector_store_idx %arg6[%broadcast_in_dim3A_7, %min3A_594, %add3A_588], %broadcast_in_dim3A_3 masked %lt3A_591 : memref<1x496x128xf32, #tpu.memory_space<vmem>>[vector<16xi32>, vector<16xi32>, vector<16xi32>], vector<16xf32>, vector<16xi1>
      %not3A_601 = arith.constant dense<true> : vector<16xi1>
      %not3A_602 = arith.xori %lt3A_591, %not3A_601 : vector<16xi1>
      tpu.vector_store_idx %arg7[%broadcast_in_dim3A_7, %max3A_600, %add3A_588], %broadcast_in_dim3A_3 masked %not3A_602 : memref<1x504x128xf32, #tpu.memory_space<vmem>>[vector<16xi32>, vector<16xi32>, vector<16xi32>], vector<16xf32>, vector<16xi1>
      %get3A_603 = arith.constant 48 : index
      %get3A_604 = tpu.vector_load %arg4[%get3A_603] {strides = array<i32>} : memref<128xi32, #tpu.memory_space<vmem>>, vector<16xi32>,
      %add3A_605 = arith.constant 48 : i32
      %add3A_606 = vector.broadcast %add3A_605 : i32 to vector<16xi32>
      %add3A_607 = arith.addi %iota3A, %add3A_606 : vector<16xi32>
      %lt3A_608 = arith.constant 496 : i32
      %lt3A_609 = vector.broadcast %lt3A_608 : i32 to vector<16xi32>
      %lt3A_610 = arith.cmpi slt, %get3A_604, %lt3A_609 : vector<16xi32>
      %min3A_611 = arith.constant 495 : i32
      %min3A_612 = vector.broadcast %min3A_611 : i32 to vector<16xi32>
      %min3A_613 = arith.minsi %get3A_604, %min3A_612 : vector<16xi32>
      %sub3A_614 = arith.constant 496 : i32
      %sub3A_615 = vector.broadcast %sub3A_614 : i32 to vector<16xi32>
      %sub3A_616 = arith.subi %get3A_604, %sub3A_615 : vector<16xi32>
      %max3A_617 = arith.constant 0 : i32
      %max3A_618 = vector.broadcast %max3A_617 : i32 to vector<16xi32>
      %max3A_619 = arith.maxsi %sub3A_616, %max3A_618 : vector<16xi32>
      tpu.vector_store_idx %arg6[%broadcast_in_dim3A_7, %min3A_613, %add3A_607], %broadcast_in_dim3A_3 masked %lt3A_610 : memref<1x496x128xf32, #tpu.memory_space<vmem>>[vector<16xi32>, vector<16xi32>, vector<16xi32>], vector<16xf32>, vector<16xi1>
      %not3A_620 = arith.constant dense<true> : vector<16xi1>
      %not3A_621 = arith.xori %lt3A_610, %not3A_620 : vector<16xi1>
      tpu.vector_store_idx %arg7[%broadcast_in_dim3A_7, %max3A_619, %add3A_607], %broadcast_in_dim3A_3 masked %not3A_621 : memref<1x504x128xf32, #tpu.memory_space<vmem>>[vector<16xi32>, vector<16xi32>, vector<16xi32>], vector<16xf32>, vector<16xi1>
      %get3A_622 = arith.constant 64 : index
      %get3A_623 = tpu.vector_load %arg4[%get3A_622] {strides = array<i32>} : memref<128xi32, #tpu.memory_space<vmem>>, vector<16xi32>,
      %add3A_624 = arith.constant 64 : i32
      %add3A_625 = vector.broadcast %add3A_624 : i32 to vector<16xi32>
      %add3A_626 = arith.addi %iota3A, %add3A_625 : vector<16xi32>
      %lt3A_627 = arith.constant 496 : i32
      %lt3A_628 = vector.broadcast %lt3A_627 : i32 to vector<16xi32>
      %lt3A_629 = arith.cmpi slt, %get3A_623, %lt3A_628 : vector<16xi32>
      %min3A_630 = arith.constant 495 : i32
      %min3A_631 = vector.broadcast %min3A_630 : i32 to vector<16xi32>
      %min3A_632 = arith.minsi %get3A_623, %min3A_631 : vector<16xi32>
      %sub3A_633 = arith.constant 496 : i32
      %sub3A_634 = vector.broadcast %sub3A_633 : i32 to vector<16xi32>
      %sub3A_635 = arith.subi %get3A_623, %sub3A_634 : vector<16xi32>
      %max3A_636 = arith.constant 0 : i32
      %max3A_637 = vector.broadcast %max3A_636 : i32 to vector<16xi32>
      %max3A_638 = arith.maxsi %sub3A_635, %max3A_637 : vector<16xi32>
      tpu.vector_store_idx %arg6[%broadcast_in_dim3A_7, %min3A_632, %add3A_626], %broadcast_in_dim3A_3 masked %lt3A_629 : memref<1x496x128xf32, #tpu.memory_space<vmem>>[vector<16xi32>, vector<16xi32>, vector<16xi32>], vector<16xf32>, vector<16xi1>
      %not3A_639 = arith.constant dense<true> : vector<16xi1>
      %not3A_640 = arith.xori %lt3A_629, %not3A_639 : vector<16xi1>
      tpu.vector_store_idx %arg7[%broadcast_in_dim3A_7, %max3A_638, %add3A_626], %broadcast_in_dim3A_3 masked %not3A_640 : memref<1x504x128xf32, #tpu.memory_space<vmem>>[vector<16xi32>, vector<16xi32>, vector<16xi32>], vector<16xf32>, vector<16xi1>
      %get3A_641 = arith.constant 80 : index
      %get3A_642 = tpu.vector_load %arg4[%get3A_641] {strides = array<i32>} : memref<128xi32, #tpu.memory_space<vmem>>, vector<16xi32>,
      %add3A_643 = arith.constant 80 : i32
      %add3A_644 = vector.broadcast %add3A_643 : i32 to vector<16xi32>
      %add3A_645 = arith.addi %iota3A, %add3A_644 : vector<16xi32>
      %lt3A_646 = arith.constant 496 : i32
      %lt3A_647 = vector.broadcast %lt3A_646 : i32 to vector<16xi32>
      %lt3A_648 = arith.cmpi slt, %get3A_642, %lt3A_647 : vector<16xi32>
      %min3A_649 = arith.constant 495 : i32
      %min3A_650 = vector.broadcast %min3A_649 : i32 to vector<16xi32>
      %min3A_651 = arith.minsi %get3A_642, %min3A_650 : vector<16xi32>
      %sub3A_652 = arith.constant 496 : i32
      %sub3A_653 = vector.broadcast %sub3A_652 : i32 to vector<16xi32>
      %sub3A_654 = arith.subi %get3A_642, %sub3A_653 : vector<16xi32>
      %max3A_655 = arith.constant 0 : i32
      %max3A_656 = vector.broadcast %max3A_655 : i32 to vector<16xi32>
      %max3A_657 = arith.maxsi %sub3A_654, %max3A_656 : vector<16xi32>
      tpu.vector_store_idx %arg6[%broadcast_in_dim3A_7, %min3A_651, %add3A_645], %broadcast_in_dim3A_3 masked %lt3A_648 : memref<1x496x128xf32, #tpu.memory_space<vmem>>[vector<16xi32>, vector<16xi32>, vector<16xi32>], vector<16xf32>, vector<16xi1>
      %not3A_658 = arith.constant dense<true> : vector<16xi1>
      %not3A_659 = arith.xori %lt3A_648, %not3A_658 : vector<16xi1>
      tpu.vector_store_idx %arg7[%broadcast_in_dim3A_7, %max3A_657, %add3A_645], %broadcast_in_dim3A_3 masked %not3A_659 : memref<1x504x128xf32, #tpu.memory_space<vmem>>[vector<16xi32>, vector<16xi32>, vector<16xi32>], vector<16xf32>, vector<16xi1>
      %get3A_660 = arith.constant 96 : index
      %get3A_661 = tpu.vector_load %arg4[%get3A_660] {strides = array<i32>} : memref<128xi32, #tpu.memory_space<vmem>>, vector<16xi32>,
      %add3A_662 = arith.constant 96 : i32
      %add3A_663 = vector.broadcast %add3A_662 : i32 to vector<16xi32>
      %add3A_664 = arith.addi %iota3A, %add3A_663 : vector<16xi32>
      %lt3A_665 = arith.constant 496 : i32
      %lt3A_666 = vector.broadcast %lt3A_665 : i32 to vector<16xi32>
      %lt3A_667 = arith.cmpi slt, %get3A_661, %lt3A_666 : vector<16xi32>
      %min3A_668 = arith.constant 495 : i32
      %min3A_669 = vector.broadcast %min3A_668 : i32 to vector<16xi32>
      %min3A_670 = arith.minsi %get3A_661, %min3A_669 : vector<16xi32>
      %sub3A_671 = arith.constant 496 : i32
      %sub3A_672 = vector.broadcast %sub3A_671 : i32 to vector<16xi32>
      %sub3A_673 = arith.subi %get3A_661, %sub3A_672 : vector<16xi32>
      %max3A_674 = arith.constant 0 : i32
      %max3A_675 = vector.broadcast %max3A_674 : i32 to vector<16xi32>
      %max3A_676 = arith.maxsi %sub3A_673, %max3A_675 : vector<16xi32>
      tpu.vector_store_idx %arg6[%broadcast_in_dim3A_7, %min3A_670, %add3A_664], %broadcast_in_dim3A_3 masked %lt3A_667 : memref<1x496x128xf32, #tpu.memory_space<vmem>>[vector<16xi32>, vector<16xi32>, vector<16xi32>], vector<16xf32>, vector<16xi1>
      %not3A_677 = arith.constant dense<true> : vector<16xi1>
      %not3A_678 = arith.xori %lt3A_667, %not3A_677 : vector<16xi1>
      tpu.vector_store_idx %arg7[%broadcast_in_dim3A_7, %max3A_676, %add3A_664], %broadcast_in_dim3A_3 masked %not3A_678 : memref<1x504x128xf32, #tpu.memory_space<vmem>>[vector<16xi32>, vector<16xi32>, vector<16xi32>], vector<16xf32>, vector<16xi1>
      %get3A_679 = arith.constant 112 : index
      %get3A_680 = tpu.vector_load %arg4[%get3A_679] {strides = array<i32>} : memref<128xi32, #tpu.memory_space<vmem>>, vector<16xi32>,
      %add3A_681 = arith.constant 112 : i32
      %add3A_682 = vector.broadcast %add3A_681 : i32 to vector<16xi32>
      %add3A_683 = arith.addi %iota3A, %add3A_682 : vector<16xi32>
      %lt3A_684 = arith.constant 496 : i32
      %lt3A_685 = vector.broadcast %lt3A_684 : i32 to vector<16xi32>
      %lt3A_686 = arith.cmpi slt, %get3A_680, %lt3A_685 : vector<16xi32>
      %min3A_687 = arith.constant 495 : i32
      %min3A_688 = vector.broadcast %min3A_687 : i32 to vector<16xi32>
      %min3A_689 = arith.minsi %get3A_680, %min3A_688 : vector<16xi32>
      %sub3A_690 = arith.constant 496 : i32
      %sub3A_691 = vector.broadcast %sub3A_690 : i32 to vector<16xi32>
      %sub3A_692 = arith.subi %get3A_680, %sub3A_691 : vector<16xi32>
      %max3A_693 = arith.constant 0 : i32
      %max3A_694 = vector.broadcast %max3A_693 : i32 to vector<16xi32>
      %max3A_695 = arith.maxsi %sub3A_692, %max3A_694 : vector<16xi32>
      tpu.vector_store_idx %arg6[%broadcast_in_dim3A_7, %min3A_689, %add3A_683], %broadcast_in_dim3A_3 masked %lt3A_686 : memref<1x496x128xf32, #tpu.memory_space<vmem>>[vector<16xi32>, vector<16xi32>, vector<16xi32>], vector<16xf32>, vector<16xi1>
      %not3A_696 = arith.constant dense<true> : vector<16xi1>
      %not3A_697 = arith.xori %lt3A_686, %not3A_696 : vector<16xi1>
      tpu.vector_store_idx %arg7[%broadcast_in_dim3A_7, %max3A_695, %add3A_683], %broadcast_in_dim3A_3 masked %not3A_697 : memref<1x504x128xf32, #tpu.memory_space<vmem>>[vector<16xi32>, vector<16xi32>, vector<16xi32>], vector<16xf32>, vector<16xi1>
      %add3A_698 = arith.constant 1 : i32
      %add3A_699 = arith.addi %add3A_537, %add3A_698 : i32
      %mul3A_700 = arith.constant 4096 : i32
      %mul3A_701 = arith.muli %add3A_699, %mul3A_700 : i32
      %add3A_702 = arith.addi %mul3A_701, %mul3A_2 : i32
      %dma_start3A_703 = tpu.memref_slice %arg2[%add3A_702] : memref<106496xi32, #tpu.memory_space<hbm>> -> memref<128xi32, #tpu.memory_space<hbm>>
      %dma_start3A_704 = tpu.memref_slice %arg2[%add3A_702] : memref<106496xi32, #tpu.memory_space<hbm>> -> memref<128xi32, #tpu.memory_space<hbm>>
      tpu.enqueue_dma source(%dma_start3A_704 : memref<128xi32, #tpu.memory_space<hbm>>) target(%arg4 : memref<128xi32, #tpu.memory_space<vmem>>) target_semaphore(%arg8 : memref<!tpu.dma_semaphore, #tpu.memory_space<semaphore_mem>>)
      %mul3A_705 = arith.constant 4096 : i32
      %mul3A_706 = arith.muli %add3A_537, %mul3A_705 : i32
      %add3A_707 = arith.addi %mul3A_706, %mul3A_2 : i32
      %dma_wait3A_708 = tpu.memref_slice %arg2[%add3A_707] : memref<106496xi32, #tpu.memory_space<hbm>> -> memref<128xi32, #tpu.memory_space<hbm>>
      %dma_wait3A_709 = tpu.memref_slice %arg2[%add3A_707] : memref<106496xi32, #tpu.memory_space<hbm>> -> memref<128xi32, #tpu.memory_space<hbm>>
      tpu.wait_dma2 semaphore(%arg9 : memref<!tpu.dma_semaphore, #tpu.memory_space<semaphore_mem>>) src(%dma_wait3A_709 : memref<128xi32, #tpu.memory_space<hbm>>) dst(%arg5 : memref<128xi32, #tpu.memory_space<vmem>>)
      %get3A_710 = arith.constant 0 : index
      %get3A_711 = tpu.vector_load %arg5[%get3A_710] {strides = array<i32>} : memref<128xi32, #tpu.memory_space<vmem>>, vector<16xi32>,
      %add3A_712 = arith.constant 0 : i32
      %add3A_713 = vector.broadcast %add3A_712 : i32 to vector<16xi32>
      %add3A_714 = arith.addi %iota3A, %add3A_713 : vector<16xi32>
      %lt3A_715 = arith.constant 496 : i32
      %lt3A_716 = vector.broadcast %lt3A_715 : i32 to vector<16xi32>
      %lt3A_717 = arith.cmpi slt, %get3A_711, %lt3A_716 : vector<16xi32>
      %min3A_718 = arith.constant 495 : i32
      %min3A_719 = vector.broadcast %min3A_718 : i32 to vector<16xi32>
      %min3A_720 = arith.minsi %get3A_711, %min3A_719 : vector<16xi32>
      %sub3A_721 = arith.constant 496 : i32
      %sub3A_722 = vector.broadcast %sub3A_721 : i32 to vector<16xi32>
      %sub3A_723 = arith.subi %get3A_711, %sub3A_722 : vector<16xi32>
      %max3A_724 = arith.constant 0 : i32
      %max3A_725 = vector.broadcast %max3A_724 : i32 to vector<16xi32>
      %max3A_726 = arith.maxsi %sub3A_723, %max3A_725 : vector<16xi32>
      tpu.vector_store_idx %arg6[%broadcast_in_dim3A_7, %min3A_720, %add3A_714], %broadcast_in_dim3A_5 masked %lt3A_717 : memref<1x496x128xf32, #tpu.memory_space<vmem>>[vector<16xi32>, vector<16xi32>, vector<16xi32>], vector<16xf32>, vector<16xi1>
      %not3A_727 = arith.constant dense<true> : vector<16xi1>
      %not3A_728 = arith.xori %lt3A_717, %not3A_727 : vector<16xi1>
      tpu.vector_store_idx %arg7[%broadcast_in_dim3A_7, %max3A_726, %add3A_714], %broadcast_in_dim3A_5 masked %not3A_728 : memref<1x504x128xf32, #tpu.memory_space<vmem>>[vector<16xi32>, vector<16xi32>, vector<16xi32>], vector<16xf32>, vector<16xi1>
      %get3A_729 = arith.constant 16 : index
      %get3A_730 = tpu.vector_load %arg5[%get3A_729] {strides = array<i32>} : memref<128xi32, #tpu.memory_space<vmem>>, vector<16xi32>,
      %add3A_731 = arith.constant 16 : i32
      %add3A_732 = vector.broadcast %add3A_731 : i32 to vector<16xi32>
      %add3A_733 = arith.addi %iota3A, %add3A_732 : vector<16xi32>
      %lt3A_734 = arith.constant 496 : i32
      %lt3A_735 = vector.broadcast %lt3A_734 : i32 to vector<16xi32>
      %lt3A_736 = arith.cmpi slt, %get3A_730, %lt3A_735 : vector<16xi32>
      %min3A_737 = arith.constant 495 : i32
      %min3A_738 = vector.broadcast %min3A_737 : i32 to vector<16xi32>
      %min3A_739 = arith.minsi %get3A_730, %min3A_738 : vector<16xi32>
      %sub3A_740 = arith.constant 496 : i32
      %sub3A_741 = vector.broadcast %sub3A_740 : i32 to vector<16xi32>
      %sub3A_742 = arith.subi %get3A_730, %sub3A_741 : vector<16xi32>
      %max3A_743 = arith.constant 0 : i32
      %max3A_744 = vector.broadcast %max3A_743 : i32 to vector<16xi32>
      %max3A_745 = arith.maxsi %sub3A_742, %max3A_744 : vector<16xi32>
      tpu.vector_store_idx %arg6[%broadcast_in_dim3A_7, %min3A_739, %add3A_733], %broadcast_in_dim3A_5 masked %lt3A_736 : memref<1x496x128xf32, #tpu.memory_space<vmem>>[vector<16xi32>, vector<16xi32>, vector<16xi32>], vector<16xf32>, vector<16xi1>
      %not3A_746 = arith.constant dense<true> : vector<16xi1>
      %not3A_747 = arith.xori %lt3A_736, %not3A_746 : vector<16xi1>
      tpu.vector_store_idx %arg7[%broadcast_in_dim3A_7, %max3A_745, %add3A_733], %broadcast_in_dim3A_5 masked %not3A_747 : memref<1x504x128xf32, #tpu.memory_space<vmem>>[vector<16xi32>, vector<16xi32>, vector<16xi32>], vector<16xf32>, vector<16xi1>
      %get3A_748 = arith.constant 32 : index
      %get3A_749 = tpu.vector_load %arg5[%get3A_748] {strides = array<i32>} : memref<128xi32, #tpu.memory_space<vmem>>, vector<16xi32>,
      %add3A_750 = arith.constant 32 : i32
      %add3A_751 = vector.broadcast %add3A_750 : i32 to vector<16xi32>
      %add3A_752 = arith.addi %iota3A, %add3A_751 : vector<16xi32>
      %lt3A_753 = arith.constant 496 : i32
      %lt3A_754 = vector.broadcast %lt3A_753 : i32 to vector<16xi32>
      %lt3A_755 = arith.cmpi slt, %get3A_749, %lt3A_754 : vector<16xi32>
      %min3A_756 = arith.constant 495 : i32
      %min3A_757 = vector.broadcast %min3A_756 : i32 to vector<16xi32>
      %min3A_758 = arith.minsi %get3A_749, %min3A_757 : vector<16xi32>
      %sub3A_759 = arith.constant 496 : i32
      %sub3A_760 = vector.broadcast %sub3A_759 : i32 to vector<16xi32>
      %sub3A_761 = arith.subi %get3A_749, %sub3A_760 : vector<16xi32>
      %max3A_762 = arith.constant 0 : i32
      %max3A_763 = vector.broadcast %max3A_762 : i32 to vector<16xi32>
      %max3A_764 = arith.maxsi %sub3A_761, %max3A_763 : vector<16xi32>
      tpu.vector_store_idx %arg6[%broadcast_in_dim3A_7, %min3A_758, %add3A_752], %broadcast_in_dim3A_5 masked %lt3A_755 : memref<1x496x128xf32, #tpu.memory_space<vmem>>[vector<16xi32>, vector<16xi32>, vector<16xi32>], vector<16xf32>, vector<16xi1>
      %not3A_765 = arith.constant dense<true> : vector<16xi1>
      %not3A_766 = arith.xori %lt3A_755, %not3A_765 : vector<16xi1>
      tpu.vector_store_idx %arg7[%broadcast_in_dim3A_7, %max3A_764, %add3A_752], %broadcast_in_dim3A_5 masked %not3A_766 : memref<1x504x128xf32, #tpu.memory_space<vmem>>[vector<16xi32>, vector<16xi32>, vector<16xi32>], vector<16xf32>, vector<16xi1>
      %get3A_767 = arith.constant 48 : index
      %get3A_768 = tpu.vector_load %arg5[%get3A_767] {strides = array<i32>} : memref<128xi32, #tpu.memory_space<vmem>>, vector<16xi32>,
      %add3A_769 = arith.constant 48 : i32
      %add3A_770 = vector.broadcast %add3A_769 : i32 to vector<16xi32>
      %add3A_771 = arith.addi %iota3A, %add3A_770 : vector<16xi32>
      %lt3A_772 = arith.constant 496 : i32
      %lt3A_773 = vector.broadcast %lt3A_772 : i32 to vector<16xi32>
      %lt3A_774 = arith.cmpi slt, %get3A_768, %lt3A_773 : vector<16xi32>
      %min3A_775 = arith.constant 495 : i32
      %min3A_776 = vector.broadcast %min3A_775 : i32 to vector<16xi32>
      %min3A_777 = arith.minsi %get3A_768, %min3A_776 : vector<16xi32>
      %sub3A_778 = arith.constant 496 : i32
      %sub3A_779 = vector.broadcast %sub3A_778 : i32 to vector<16xi32>
      %sub3A_780 = arith.subi %get3A_768, %sub3A_779 : vector<16xi32>
      %max3A_781 = arith.constant 0 : i32
      %max3A_782 = vector.broadcast %max3A_781 : i32 to vector<16xi32>
      %max3A_783 = arith.maxsi %sub3A_780, %max3A_782 : vector<16xi32>
      tpu.vector_store_idx %arg6[%broadcast_in_dim3A_7, %min3A_777, %add3A_771], %broadcast_in_dim3A_5 masked %lt3A_774 : memref<1x496x128xf32, #tpu.memory_space<vmem>>[vector<16xi32>, vector<16xi32>, vector<16xi32>], vector<16xf32>, vector<16xi1>
      %not3A_784 = arith.constant dense<true> : vector<16xi1>
      %not3A_785 = arith.xori %lt3A_774, %not3A_784 : vector<16xi1>
      tpu.vector_store_idx %arg7[%broadcast_in_dim3A_7, %max3A_783, %add3A_771], %broadcast_in_dim3A_5 masked %not3A_785 : memref<1x504x128xf32, #tpu.memory_space<vmem>>[vector<16xi32>, vector<16xi32>, vector<16xi32>], vector<16xf32>, vector<16xi1>
      %get3A_786 = arith.constant 64 : index
      %get3A_787 = tpu.vector_load %arg5[%get3A_786] {strides = array<i32>} : memref<128xi32, #tpu.memory_space<vmem>>, vector<16xi32>,
      %add3A_788 = arith.constant 64 : i32
      %add3A_789 = vector.broadcast %add3A_788 : i32 to vector<16xi32>
      %add3A_790 = arith.addi %iota3A, %add3A_789 : vector<16xi32>
      %lt3A_791 = arith.constant 496 : i32
      %lt3A_792 = vector.broadcast %lt3A_791 : i32 to vector<16xi32>
      %lt3A_793 = arith.cmpi slt, %get3A_787, %lt3A_792 : vector<16xi32>
      %min3A_794 = arith.constant 495 : i32
      %min3A_795 = vector.broadcast %min3A_794 : i32 to vector<16xi32>
      %min3A_796 = arith.minsi %get3A_787, %min3A_795 : vector<16xi32>
      %sub3A_797 = arith.constant 496 : i32
      %sub3A_798 = vector.broadcast %sub3A_797 : i32 to vector<16xi32>
      %sub3A_799 = arith.subi %get3A_787, %sub3A_798 : vector<16xi32>
      %max3A_800 = arith.constant 0 : i32
      %max3A_801 = vector.broadcast %max3A_800 : i32 to vector<16xi32>
      %max3A_802 = arith.maxsi %sub3A_799, %max3A_801 : vector<16xi32>
      tpu.vector_store_idx %arg6[%broadcast_in_dim3A_7, %min3A_796, %add3A_790], %broadcast_in_dim3A_5 masked %lt3A_793 : memref<1x496x128xf32, #tpu.memory_space<vmem>>[vector<16xi32>, vector<16xi32>, vector<16xi32>], vector<16xf32>, vector<16xi1>
      %not3A_803 = arith.constant dense<true> : vector<16xi1>
      %not3A_804 = arith.xori %lt3A_793, %not3A_803 : vector<16xi1>
      tpu.vector_store_idx %arg7[%broadcast_in_dim3A_7, %max3A_802, %add3A_790], %broadcast_in_dim3A_5 masked %not3A_804 : memref<1x504x128xf32, #tpu.memory_space<vmem>>[vector<16xi32>, vector<16xi32>, vector<16xi32>], vector<16xf32>, vector<16xi1>
      %get3A_805 = arith.constant 80 : index
      %get3A_806 = tpu.vector_load %arg5[%get3A_805] {strides = array<i32>} : memref<128xi32, #tpu.memory_space<vmem>>, vector<16xi32>,
      %add3A_807 = arith.constant 80 : i32
      %add3A_808 = vector.broadcast %add3A_807 : i32 to vector<16xi32>
      %add3A_809 = arith.addi %iota3A, %add3A_808 : vector<16xi32>
      %lt3A_810 = arith.constant 496 : i32
      %lt3A_811 = vector.broadcast %lt3A_810 : i32 to vector<16xi32>
      %lt3A_812 = arith.cmpi slt, %get3A_806, %lt3A_811 : vector<16xi32>
      %min3A_813 = arith.constant 495 : i32
      %min3A_814 = vector.broadcast %min3A_813 : i32 to vector<16xi32>
      %min3A_815 = arith.minsi %get3A_806, %min3A_814 : vector<16xi32>
      %sub3A_816 = arith.constant 496 : i32
      %sub3A_817 = vector.broadcast %sub3A_816 : i32 to vector<16xi32>
      %sub3A_818 = arith.subi %get3A_806, %sub3A_817 : vector<16xi32>
      %max3A_819 = arith.constant 0 : i32
      %max3A_820 = vector.broadcast %max3A_819 : i32 to vector<16xi32>
      %max3A_821 = arith.maxsi %sub3A_818, %max3A_820 : vector<16xi32>
      tpu.vector_store_idx %arg6[%broadcast_in_dim3A_7, %min3A_815, %add3A_809], %broadcast_in_dim3A_5 masked %lt3A_812 : memref<1x496x128xf32, #tpu.memory_space<vmem>>[vector<16xi32>, vector<16xi32>, vector<16xi32>], vector<16xf32>, vector<16xi1>
      %not3A_822 = arith.constant dense<true> : vector<16xi1>
      %not3A_823 = arith.xori %lt3A_812, %not3A_822 : vector<16xi1>
      tpu.vector_store_idx %arg7[%broadcast_in_dim3A_7, %max3A_821, %add3A_809], %broadcast_in_dim3A_5 masked %not3A_823 : memref<1x504x128xf32, #tpu.memory_space<vmem>>[vector<16xi32>, vector<16xi32>, vector<16xi32>], vector<16xf32>, vector<16xi1>
      %get3A_824 = arith.constant 96 : index
      %get3A_825 = tpu.vector_load %arg5[%get3A_824] {strides = array<i32>} : memref<128xi32, #tpu.memory_space<vmem>>, vector<16xi32>,
      %add3A_826 = arith.constant 96 : i32
      %add3A_827 = vector.broadcast %add3A_826 : i32 to vector<16xi32>
      %add3A_828 = arith.addi %iota3A, %add3A_827 : vector<16xi32>
      %lt3A_829 = arith.constant 496 : i32
      %lt3A_830 = vector.broadcast %lt3A_829 : i32 to vector<16xi32>
      %lt3A_831 = arith.cmpi slt, %get3A_825, %lt3A_830 : vector<16xi32>
      %min3A_832 = arith.constant 495 : i32
      %min3A_833 = vector.broadcast %min3A_832 : i32 to vector<16xi32>
      %min3A_834 = arith.minsi %get3A_825, %min3A_833 : vector<16xi32>
      %sub3A_835 = arith.constant 496 : i32
      %sub3A_836 = vector.broadcast %sub3A_835 : i32 to vector<16xi32>
      %sub3A_837 = arith.subi %get3A_825, %sub3A_836 : vector<16xi32>
      %max3A_838 = arith.constant 0 : i32
      %max3A_839 = vector.broadcast %max3A_838 : i32 to vector<16xi32>
      %max3A_840 = arith.maxsi %sub3A_837, %max3A_839 : vector<16xi32>
      tpu.vector_store_idx %arg6[%broadcast_in_dim3A_7, %min3A_834, %add3A_828], %broadcast_in_dim3A_5 masked %lt3A_831 : memref<1x496x128xf32, #tpu.memory_space<vmem>>[vector<16xi32>, vector<16xi32>, vector<16xi32>], vector<16xf32>, vector<16xi1>
      %not3A_841 = arith.constant dense<true> : vector<16xi1>
      %not3A_842 = arith.xori %lt3A_831, %not3A_841 : vector<16xi1>
      tpu.vector_store_idx %arg7[%broadcast_in_dim3A_7, %max3A_840, %add3A_828], %broadcast_in_dim3A_5 masked %not3A_842 : memref<1x504x128xf32, #tpu.memory_space<vmem>>[vector<16xi32>, vector<16xi32>, vector<16xi32>], vector<16xf32>, vector<16xi1>
      %get3A_843 = arith.constant 112 : index
      %get3A_844 = tpu.vector_load %arg5[%get3A_843] {strides = array<i32>} : memref<128xi32, #tpu.memory_space<vmem>>, vector<16xi32>,
      %add3A_845 = arith.constant 112 : i32
      %add3A_846 = vector.broadcast %add3A_845 : i32 to vector<16xi32>
      %add3A_847 = arith.addi %iota3A, %add3A_846 : vector<16xi32>
      %lt3A_848 = arith.constant 496 : i32
      %lt3A_849 = vector.broadcast %lt3A_848 : i32 to vector<16xi32>
      %lt3A_850 = arith.cmpi slt, %get3A_844, %lt3A_849 : vector<16xi32>
      %min3A_851 = arith.constant 495 : i32
      %min3A_852 = vector.broadcast %min3A_851 : i32 to vector<16xi32>
      %min3A_853 = arith.minsi %get3A_844, %min3A_852 : vector<16xi32>
      %sub3A_854 = arith.constant 496 : i32
      %sub3A_855 = vector.broadcast %sub3A_854 : i32 to vector<16xi32>
      %sub3A_856 = arith.subi %get3A_844, %sub3A_855 : vector<16xi32>
      %max3A_857 = arith.constant 0 : i32
      %max3A_858 = vector.broadcast %max3A_857 : i32 to vector<16xi32>
      %max3A_859 = arith.maxsi %sub3A_856, %max3A_858 : vector<16xi32>
      tpu.vector_store_idx %arg6[%broadcast_in_dim3A_7, %min3A_853, %add3A_847], %broadcast_in_dim3A_5 masked %lt3A_850 : memref<1x496x128xf32, #tpu.memory_space<vmem>>[vector<16xi32>, vector<16xi32>, vector<16xi32>], vector<16xf32>, vector<16xi1>
      %not3A_860 = arith.constant dense<true> : vector<16xi1>
      %not3A_861 = arith.xori %lt3A_850, %not3A_860 : vector<16xi1>
      tpu.vector_store_idx %arg7[%broadcast_in_dim3A_7, %max3A_859, %add3A_847], %broadcast_in_dim3A_5 masked %not3A_861 : memref<1x504x128xf32, #tpu.memory_space<vmem>>[vector<16xi32>, vector<16xi32>, vector<16xi32>], vector<16xf32>, vector<16xi1>
      %dma_start3A_862 = arith.constant 0 : i32
      %dma_start3A_863 = tpu.memref_slice %arg3[%add3A_537, %dma_start3A_862, %mul3A_2] : memref<26x1000x4096xf32, #tpu.memory_space<hbm>> -> memref<1x496x128xf32, #tpu.memory_space<hbm>>
      %dma_start3A_864 = arith.constant 0 : i32
      %dma_start3A_865 = tpu.memref_slice %arg3[%add3A_537, %dma_start3A_864, %mul3A_2] : memref<26x1000x4096xf32, #tpu.memory_space<hbm>> -> memref<1x496x128xf32, #tpu.memory_space<hbm>>
      tpu.enqueue_dma source(%arg6 : memref<1x496x128xf32, #tpu.memory_space<vmem>>) target(%dma_start3A_865 : memref<1x496x128xf32, #tpu.memory_space<hbm>>) target_semaphore(%arg10 : memref<!tpu.dma_semaphore, #tpu.memory_space<semaphore_mem>>)
      %dma_start3A_866 = arith.constant 496 : i32
      %dma_start3A_867 = tpu.memref_slice %arg3[%add3A_537, %dma_start3A_866, %mul3A_2] : memref<26x1000x4096xf32, #tpu.memory_space<hbm>> -> memref<1x504x128xf32, #tpu.memory_space<hbm>>
      %dma_start3A_868 = arith.constant 496 : i32
      %dma_start3A_869 = tpu.memref_slice %arg3[%add3A_537, %dma_start3A_868, %mul3A_2] : memref<26x1000x4096xf32, #tpu.memory_space<hbm>> -> memref<1x504x128xf32, #tpu.memory_space<hbm>>
      tpu.enqueue_dma source(%arg7 : memref<1x504x128xf32, #tpu.memory_space<vmem>>) target(%dma_start3A_869 : memref<1x504x128xf32, #tpu.memory_space<hbm>>) target_semaphore(%arg11 : memref<!tpu.dma_semaphore, #tpu.memory_space<semaphore_mem>>)
      %mul3A_870 = arith.constant 2 : i32
      %mul3A_871 = arith.muli %scan3A_531, %mul3A_870 : i32
      %add3A_872 = arith.constant 1 : i32
      %add3A_873 = arith.addi %add3A_872, %mul3A_871 : i32
      %add3A_874 = arith.constant 1 : i32
      %add3A_875 = arith.addi %add3A_873, %add3A_874 : i32
      %dma_wait3A_876 = arith.constant 0 : i32
      %dma_wait3A_877 = tpu.memref_slice %arg3[%add3A_875, %dma_wait3A_876, %mul3A_2] : memref<26x1000x4096xf32, #tpu.memory_space<hbm>> -> memref<1x496x128xf32, #tpu.memory_space<hbm>>
      %dma_wait3A_878 = arith.constant 0 : i32
      %dma_wait3A_879 = tpu.memref_slice %arg3[%add3A_875, %dma_wait3A_878, %mul3A_2] : memref<26x1000x4096xf32, #tpu.memory_space<hbm>> -> memref<1x496x128xf32, #tpu.memory_space<hbm>>
      tpu.wait_dma2 semaphore(%arg10 : memref<!tpu.dma_semaphore, #tpu.memory_space<semaphore_mem>>) src(%arg6 : memref<1x496x128xf32, #tpu.memory_space<vmem>>) dst(%dma_wait3A_879 : memref<1x496x128xf32, #tpu.memory_space<hbm>>)
      %dma_wait3A_880 = arith.constant 496 : i32
      %dma_wait3A_881 = tpu.memref_slice %arg3[%add3A_875, %dma_wait3A_880, %mul3A_2] : memref<26x1000x4096xf32, #tpu.memory_space<hbm>> -> memref<1x504x128xf32, #tpu.memory_space<hbm>>
      %dma_wait3A_882 = arith.constant 496 : i32
      %dma_wait3A_883 = tpu.memref_slice %arg3[%add3A_875, %dma_wait3A_882, %mul3A_2] : memref<26x1000x4096xf32, #tpu.memory_space<hbm>> -> memref<1x504x128xf32, #tpu.memory_space<hbm>>
      tpu.wait_dma2 semaphore(%arg11 : memref<!tpu.dma_semaphore, #tpu.memory_space<semaphore_mem>>) src(%arg7 : memref<1x504x128xf32, #tpu.memory_space<vmem>>) dst(%dma_wait3A_883 : memref<1x504x128xf32, #tpu.memory_space<hbm>>)
      %get3A_884 = arith.constant 0 : index
      %get3A_885 = tpu.vector_load %arg5[%get3A_884] {strides = array<i32>} : memref<128xi32, #tpu.memory_space<vmem>>, vector<16xi32>,
      %add3A_886 = arith.constant 0 : i32
      %add3A_887 = vector.broadcast %add3A_886 : i32 to vector<16xi32>
      %add3A_888 = arith.addi %iota3A, %add3A_887 : vector<16xi32>
      %lt3A_889 = arith.constant 496 : i32
      %lt3A_890 = vector.broadcast %lt3A_889 : i32 to vector<16xi32>
      %lt3A_891 = arith.cmpi slt, %get3A_885, %lt3A_890 : vector<16xi32>
      %min3A_892 = arith.constant 495 : i32
      %min3A_893 = vector.broadcast %min3A_892 : i32 to vector<16xi32>
      %min3A_894 = arith.minsi %get3A_885, %min3A_893 : vector<16xi32>
      %sub3A_895 = arith.constant 496 : i32
      %sub3A_896 = vector.broadcast %sub3A_895 : i32 to vector<16xi32>
      %sub3A_897 = arith.subi %get3A_885, %sub3A_896 : vector<16xi32>
      %max3A_898 = arith.constant 0 : i32
      %max3A_899 = vector.broadcast %max3A_898 : i32 to vector<16xi32>
      %max3A_900 = arith.maxsi %sub3A_897, %max3A_899 : vector<16xi32>
      tpu.vector_store_idx %arg6[%broadcast_in_dim3A_7, %min3A_894, %add3A_888], %broadcast_in_dim3A_3 masked %lt3A_891 : memref<1x496x128xf32, #tpu.memory_space<vmem>>[vector<16xi32>, vector<16xi32>, vector<16xi32>], vector<16xf32>, vector<16xi1>
      %not3A_901 = arith.constant dense<true> : vector<16xi1>
      %not3A_902 = arith.xori %lt3A_891, %not3A_901 : vector<16xi1>
      tpu.vector_store_idx %arg7[%broadcast_in_dim3A_7, %max3A_900, %add3A_888], %broadcast_in_dim3A_3 masked %not3A_902 : memref<1x504x128xf32, #tpu.memory_space<vmem>>[vector<16xi32>, vector<16xi32>, vector<16xi32>], vector<16xf32>, vector<16xi1>
      %get3A_903 = arith.constant 16 : index
      %get3A_904 = tpu.vector_load %arg5[%get3A_903] {strides = array<i32>} : memref<128xi32, #tpu.memory_space<vmem>>, vector<16xi32>,
      %add3A_905 = arith.constant 16 : i32
      %add3A_906 = vector.broadcast %add3A_905 : i32 to vector<16xi32>
      %add3A_907 = arith.addi %iota3A, %add3A_906 : vector<16xi32>
      %lt3A_908 = arith.constant 496 : i32
      %lt3A_909 = vector.broadcast %lt3A_908 : i32 to vector<16xi32>
      %lt3A_910 = arith.cmpi slt, %get3A_904, %lt3A_909 : vector<16xi32>
      %min3A_911 = arith.constant 495 : i32
      %min3A_912 = vector.broadcast %min3A_911 : i32 to vector<16xi32>
      %min3A_913 = arith.minsi %get3A_904, %min3A_912 : vector<16xi32>
      %sub3A_914 = arith.constant 496 : i32
      %sub3A_915 = vector.broadcast %sub3A_914 : i32 to vector<16xi32>
      %sub3A_916 = arith.subi %get3A_904, %sub3A_915 : vector<16xi32>
      %max3A_917 = arith.constant 0 : i32
      %max3A_918 = vector.broadcast %max3A_917 : i32 to vector<16xi32>
      %max3A_919 = arith.maxsi %sub3A_916, %max3A_918 : vector<16xi32>
      tpu.vector_store_idx %arg6[%broadcast_in_dim3A_7, %min3A_913, %add3A_907], %broadcast_in_dim3A_3 masked %lt3A_910 : memref<1x496x128xf32, #tpu.memory_space<vmem>>[vector<16xi32>, vector<16xi32>, vector<16xi32>], vector<16xf32>, vector<16xi1>
      %not3A_920 = arith.constant dense<true> : vector<16xi1>
      %not3A_921 = arith.xori %lt3A_910, %not3A_920 : vector<16xi1>
      tpu.vector_store_idx %arg7[%broadcast_in_dim3A_7, %max3A_919, %add3A_907], %broadcast_in_dim3A_3 masked %not3A_921 : memref<1x504x128xf32, #tpu.memory_space<vmem>>[vector<16xi32>, vector<16xi32>, vector<16xi32>], vector<16xf32>, vector<16xi1>
      %get3A_922 = arith.constant 32 : index
      %get3A_923 = tpu.vector_load %arg5[%get3A_922] {strides = array<i32>} : memref<128xi32, #tpu.memory_space<vmem>>, vector<16xi32>,
      %add3A_924 = arith.constant 32 : i32
      %add3A_925 = vector.broadcast %add3A_924 : i32 to vector<16xi32>
      %add3A_926 = arith.addi %iota3A, %add3A_925 : vector<16xi32>
      %lt3A_927 = arith.constant 496 : i32
      %lt3A_928 = vector.broadcast %lt3A_927 : i32 to vector<16xi32>
      %lt3A_929 = arith.cmpi slt, %get3A_923, %lt3A_928 : vector<16xi32>
      %min3A_930 = arith.constant 495 : i32
      %min3A_931 = vector.broadcast %min3A_930 : i32 to vector<16xi32>
      %min3A_932 = arith.minsi %get3A_923, %min3A_931 : vector<16xi32>
      %sub3A_933 = arith.constant 496 : i32
      %sub3A_934 = vector.broadcast %sub3A_933 : i32 to vector<16xi32>
      %sub3A_935 = arith.subi %get3A_923, %sub3A_934 : vector<16xi32>
      %max3A_936 = arith.constant 0 : i32
      %max3A_937 = vector.broadcast %max3A_936 : i32 to vector<16xi32>
      %max3A_938 = arith.maxsi %sub3A_935, %max3A_937 : vector<16xi32>
      tpu.vector_store_idx %arg6[%broadcast_in_dim3A_7, %min3A_932, %add3A_926], %broadcast_in_dim3A_3 masked %lt3A_929 : memref<1x496x128xf32, #tpu.memory_space<vmem>>[vector<16xi32>, vector<16xi32>, vector<16xi32>], vector<16xf32>, vector<16xi1>
      %not3A_939 = arith.constant dense<true> : vector<16xi1>
      %not3A_940 = arith.xori %lt3A_929, %not3A_939 : vector<16xi1>
      tpu.vector_store_idx %arg7[%broadcast_in_dim3A_7, %max3A_938, %add3A_926], %broadcast_in_dim3A_3 masked %not3A_940 : memref<1x504x128xf32, #tpu.memory_space<vmem>>[vector<16xi32>, vector<16xi32>, vector<16xi32>], vector<16xf32>, vector<16xi1>
      %get3A_941 = arith.constant 48 : index
      %get3A_942 = tpu.vector_load %arg5[%get3A_941] {strides = array<i32>} : memref<128xi32, #tpu.memory_space<vmem>>, vector<16xi32>,
      %add3A_943 = arith.constant 48 : i32
      %add3A_944 = vector.broadcast %add3A_943 : i32 to vector<16xi32>
      %add3A_945 = arith.addi %iota3A, %add3A_944 : vector<16xi32>
      %lt3A_946 = arith.constant 496 : i32
      %lt3A_947 = vector.broadcast %lt3A_946 : i32 to vector<16xi32>
      %lt3A_948 = arith.cmpi slt, %get3A_942, %lt3A_947 : vector<16xi32>
      %min3A_949 = arith.constant 495 : i32
      %min3A_950 = vector.broadcast %min3A_949 : i32 to vector<16xi32>
      %min3A_951 = arith.minsi %get3A_942, %min3A_950 : vector<16xi32>
      %sub3A_952 = arith.constant 496 : i32
      %sub3A_953 = vector.broadcast %sub3A_952 : i32 to vector<16xi32>
      %sub3A_954 = arith.subi %get3A_942, %sub3A_953 : vector<16xi32>
      %max3A_955 = arith.constant 0 : i32
      %max3A_956 = vector.broadcast %max3A_955 : i32 to vector<16xi32>
      %max3A_957 = arith.maxsi %sub3A_954, %max3A_956 : vector<16xi32>
      tpu.vector_store_idx %arg6[%broadcast_in_dim3A_7, %min3A_951, %add3A_945], %broadcast_in_dim3A_3 masked %lt3A_948 : memref<1x496x128xf32, #tpu.memory_space<vmem>>[vector<16xi32>, vector<16xi32>, vector<16xi32>], vector<16xf32>, vector<16xi1>
      %not3A_958 = arith.constant dense<true> : vector<16xi1>
      %not3A_959 = arith.xori %lt3A_948, %not3A_958 : vector<16xi1>
      tpu.vector_store_idx %arg7[%broadcast_in_dim3A_7, %max3A_957, %add3A_945], %broadcast_in_dim3A_3 masked %not3A_959 : memref<1x504x128xf32, #tpu.memory_space<vmem>>[vector<16xi32>, vector<16xi32>, vector<16xi32>], vector<16xf32>, vector<16xi1>
      %get3A_960 = arith.constant 64 : index
      %get3A_961 = tpu.vector_load %arg5[%get3A_960] {strides = array<i32>} : memref<128xi32, #tpu.memory_space<vmem>>, vector<16xi32>,
      %add3A_962 = arith.constant 64 : i32
      %add3A_963 = vector.broadcast %add3A_962 : i32 to vector<16xi32>
      %add3A_964 = arith.addi %iota3A, %add3A_963 : vector<16xi32>
      %lt3A_965 = arith.constant 496 : i32
      %lt3A_966 = vector.broadcast %lt3A_965 : i32 to vector<16xi32>
      %lt3A_967 = arith.cmpi slt, %get3A_961, %lt3A_966 : vector<16xi32>
      %min3A_968 = arith.constant 495 : i32
      %min3A_969 = vector.broadcast %min3A_968 : i32 to vector<16xi32>
      %min3A_970 = arith.minsi %get3A_961, %min3A_969 : vector<16xi32>
      %sub3A_971 = arith.constant 496 : i32
      %sub3A_972 = vector.broadcast %sub3A_971 : i32 to vector<16xi32>
      %sub3A_973 = arith.subi %get3A_961, %sub3A_972 : vector<16xi32>
      %max3A_974 = arith.constant 0 : i32
      %max3A_975 = vector.broadcast %max3A_974 : i32 to vector<16xi32>
      %max3A_976 = arith.maxsi %sub3A_973, %max3A_975 : vector<16xi32>
      tpu.vector_store_idx %arg6[%broadcast_in_dim3A_7, %min3A_970, %add3A_964], %broadcast_in_dim3A_3 masked %lt3A_967 : memref<1x496x128xf32, #tpu.memory_space<vmem>>[vector<16xi32>, vector<16xi32>, vector<16xi32>], vector<16xf32>, vector<16xi1>
      %not3A_977 = arith.constant dense<true> : vector<16xi1>
      %not3A_978 = arith.xori %lt3A_967, %not3A_977 : vector<16xi1>
      tpu.vector_store_idx %arg7[%broadcast_in_dim3A_7, %max3A_976, %add3A_964], %broadcast_in_dim3A_3 masked %not3A_978 : memref<1x504x128xf32, #tpu.memory_space<vmem>>[vector<16xi32>, vector<16xi32>, vector<16xi32>], vector<16xf32>, vector<16xi1>
      %get3A_979 = arith.constant 80 : index
      %get3A_980 = tpu.vector_load %arg5[%get3A_979] {strides = array<i32>} : memref<128xi32, #tpu.memory_space<vmem>>, vector<16xi32>,
      %add3A_981 = arith.constant 80 : i32
      %add3A_982 = vector.broadcast %add3A_981 : i32 to vector<16xi32>
      %add3A_983 = arith.addi %iota3A, %add3A_982 : vector<16xi32>
      %lt3A_984 = arith.constant 496 : i32
      %lt3A_985 = vector.broadcast %lt3A_984 : i32 to vector<16xi32>
      %lt3A_986 = arith.cmpi slt, %get3A_980, %lt3A_985 : vector<16xi32>
      %min3A_987 = arith.constant 495 : i32
      %min3A_988 = vector.broadcast %min3A_987 : i32 to vector<16xi32>
      %min3A_989 = arith.minsi %get3A_980, %min3A_988 : vector<16xi32>
      %sub3A_990 = arith.constant 496 : i32
      %sub3A_991 = vector.broadcast %sub3A_990 : i32 to vector<16xi32>
      %sub3A_992 = arith.subi %get3A_980, %sub3A_991 : vector<16xi32>
      %max3A_993 = arith.constant 0 : i32
      %max3A_994 = vector.broadcast %max3A_993 : i32 to vector<16xi32>
      %max3A_995 = arith.maxsi %sub3A_992, %max3A_994 : vector<16xi32>
      tpu.vector_store_idx %arg6[%broadcast_in_dim3A_7, %min3A_989, %add3A_983], %broadcast_in_dim3A_3 masked %lt3A_986 : memref<1x496x128xf32, #tpu.memory_space<vmem>>[vector<16xi32>, vector<16xi32>, vector<16xi32>], vector<16xf32>, vector<16xi1>
      %not3A_996 = arith.constant dense<true> : vector<16xi1>
      %not3A_997 = arith.xori %lt3A_986, %not3A_996 : vector<16xi1>
      tpu.vector_store_idx %arg7[%broadcast_in_dim3A_7, %max3A_995, %add3A_983], %broadcast_in_dim3A_3 masked %not3A_997 : memref<1x504x128xf32, #tpu.memory_space<vmem>>[vector<16xi32>, vector<16xi32>, vector<16xi32>], vector<16xf32>, vector<16xi1>
      %get3A_998 = arith.constant 96 : index
      %get3A_999 = tpu.vector_load %arg5[%get3A_998] {strides = array<i32>} : memref<128xi32, #tpu.memory_space<vmem>>, vector<16xi32>,
      %add3A_1000 = arith.constant 96 : i32
      %add3A_1001 = vector.broadcast %add3A_1000 : i32 to vector<16xi32>
      %add3A_1002 = arith.addi %iota3A, %add3A_1001 : vector<16xi32>
      %lt3A_1003 = arith.constant 496 : i32
      %lt3A_1004 = vector.broadcast %lt3A_1003 : i32 to vector<16xi32>
      %lt3A_1005 = arith.cmpi slt, %get3A_999, %lt3A_1004 : vector<16xi32>
      %min3A_1006 = arith.constant 495 : i32
      %min3A_1007 = vector.broadcast %min3A_1006 : i32 to vector<16xi32>
      %min3A_1008 = arith.minsi %get3A_999, %min3A_1007 : vector<16xi32>
      %sub3A_1009 = arith.constant 496 : i32
      %sub3A_1010 = vector.broadcast %sub3A_1009 : i32 to vector<16xi32>
      %sub3A_1011 = arith.subi %get3A_999, %sub3A_1010 : vector<16xi32>
      %max3A_1012 = arith.constant 0 : i32
      %max3A_1013 = vector.broadcast %max3A_1012 : i32 to vector<16xi32>
      %max3A_1014 = arith.maxsi %sub3A_1011, %max3A_1013 : vector<16xi32>
      tpu.vector_store_idx %arg6[%broadcast_in_dim3A_7, %min3A_1008, %add3A_1002], %broadcast_in_dim3A_3 masked %lt3A_1005 : memref<1x496x128xf32, #tpu.memory_space<vmem>>[vector<16xi32>, vector<16xi32>, vector<16xi32>], vector<16xf32>, vector<16xi1>
      %not3A_1015 = arith.constant dense<true> : vector<16xi1>
      %not3A_1016 = arith.xori %lt3A_1005, %not3A_1015 : vector<16xi1>
      tpu.vector_store_idx %arg7[%broadcast_in_dim3A_7, %max3A_1014, %add3A_1002], %broadcast_in_dim3A_3 masked %not3A_1016 : memref<1x504x128xf32, #tpu.memory_space<vmem>>[vector<16xi32>, vector<16xi32>, vector<16xi32>], vector<16xf32>, vector<16xi1>
      %get3A_1017 = arith.constant 112 : index
      %get3A_1018 = tpu.vector_load %arg5[%get3A_1017] {strides = array<i32>} : memref<128xi32, #tpu.memory_space<vmem>>, vector<16xi32>,
      %add3A_1019 = arith.constant 112 : i32
      %add3A_1020 = vector.broadcast %add3A_1019 : i32 to vector<16xi32>
      %add3A_1021 = arith.addi %iota3A, %add3A_1020 : vector<16xi32>
      %lt3A_1022 = arith.constant 496 : i32
      %lt3A_1023 = vector.broadcast %lt3A_1022 : i32 to vector<16xi32>
      %lt3A_1024 = arith.cmpi slt, %get3A_1018, %lt3A_1023 : vector<16xi32>
      %min3A_1025 = arith.constant 495 : i32
      %min3A_1026 = vector.broadcast %min3A_1025 : i32 to vector<16xi32>
      %min3A_1027 = arith.minsi %get3A_1018, %min3A_1026 : vector<16xi32>
      %sub3A_1028 = arith.constant 496 : i32
      %sub3A_1029 = vector.broadcast %sub3A_1028 : i32 to vector<16xi32>
      %sub3A_1030 = arith.subi %get3A_1018, %sub3A_1029 : vector<16xi32>
      %max3A_1031 = arith.constant 0 : i32
      %max3A_1032 = vector.broadcast %max3A_1031 : i32 to vector<16xi32>
      %max3A_1033 = arith.maxsi %sub3A_1030, %max3A_1032 : vector<16xi32>
      tpu.vector_store_idx %arg6[%broadcast_in_dim3A_7, %min3A_1027, %add3A_1021], %broadcast_in_dim3A_3 masked %lt3A_1024 : memref<1x496x128xf32, #tpu.memory_space<vmem>>[vector<16xi32>, vector<16xi32>, vector<16xi32>], vector<16xf32>, vector<16xi1>
      %not3A_1034 = arith.constant dense<true> : vector<16xi1>
      %not3A_1035 = arith.xori %lt3A_1024, %not3A_1034 : vector<16xi1>
      tpu.vector_store_idx %arg7[%broadcast_in_dim3A_7, %max3A_1033, %add3A_1021], %broadcast_in_dim3A_3 masked %not3A_1035 : memref<1x504x128xf32, #tpu.memory_space<vmem>>[vector<16xi32>, vector<16xi32>, vector<16xi32>], vector<16xf32>, vector<16xi1>
      %add3A_1036 = arith.constant 1 : i32
      %add3A_1037 = arith.addi %add3A_875, %add3A_1036 : i32
      %mul3A_1038 = arith.constant 4096 : i32
      %mul3A_1039 = arith.muli %add3A_1037, %mul3A_1038 : i32
      %add3A_1040 = arith.addi %mul3A_1039, %mul3A_2 : i32
      %dma_start3A_1041 = tpu.memref_slice %arg2[%add3A_1040] : memref<106496xi32, #tpu.memory_space<hbm>> -> memref<128xi32, #tpu.memory_space<hbm>>
      %dma_start3A_1042 = tpu.memref_slice %arg2[%add3A_1040] : memref<106496xi32, #tpu.memory_space<hbm>> -> memref<128xi32, #tpu.memory_space<hbm>>
      tpu.enqueue_dma source(%dma_start3A_1042 : memref<128xi32, #tpu.memory_space<hbm>>) target(%arg5 : memref<128xi32, #tpu.memory_space<vmem>>) target_semaphore(%arg9 : memref<!tpu.dma_semaphore, #tpu.memory_space<semaphore_mem>>)
      %mul3A_1043 = arith.constant 4096 : i32
      %mul3A_1044 = arith.muli %add3A_875, %mul3A_1043 : i32
      %add3A_1045 = arith.addi %mul3A_1044, %mul3A_2 : i32
      %dma_wait3A_1046 = tpu.memref_slice %arg2[%add3A_1045] : memref<106496xi32, #tpu.memory_space<hbm>> -> memref<128xi32, #tpu.memory_space<hbm>>
      %dma_wait3A_1047 = tpu.memref_slice %arg2[%add3A_1045] : memref<106496xi32, #tpu.memory_space<hbm>> -> memref<128xi32, #tpu.memory_space<hbm>>
      tpu.wait_dma2 semaphore(%arg8 : memref<!tpu.dma_semaphore, #tpu.memory_space<semaphore_mem>>) src(%dma_wait3A_1047 : memref<128xi32, #tpu.memory_space<hbm>>) dst(%arg4 : memref<128xi32, #tpu.memory_space<vmem>>)
      %get3A_1048 = arith.constant 0 : index
      %get3A_1049 = tpu.vector_load %arg4[%get3A_1048] {strides = array<i32>} : memref<128xi32, #tpu.memory_space<vmem>>, vector<16xi32>,
      %add3A_1050 = arith.constant 0 : i32
      %add3A_1051 = vector.broadcast %add3A_1050 : i32 to vector<16xi32>
      %add3A_1052 = arith.addi %iota3A, %add3A_1051 : vector<16xi32>
      %lt3A_1053 = arith.constant 496 : i32
      %lt3A_1054 = vector.broadcast %lt3A_1053 : i32 to vector<16xi32>
      %lt3A_1055 = arith.cmpi slt, %get3A_1049, %lt3A_1054 : vector<16xi32>
      %min3A_1056 = arith.constant 495 : i32
      %min3A_1057 = vector.broadcast %min3A_1056 : i32 to vector<16xi32>
      %min3A_1058 = arith.minsi %get3A_1049, %min3A_1057 : vector<16xi32>
      %sub3A_1059 = arith.constant 496 : i32
      %sub3A_1060 = vector.broadcast %sub3A_1059 : i32 to vector<16xi32>
      %sub3A_1061 = arith.subi %get3A_1049, %sub3A_1060 : vector<16xi32>
      %max3A_1062 = arith.constant 0 : i32
      %max3A_1063 = vector.broadcast %max3A_1062 : i32 to vector<16xi32>
      %max3A_1064 = arith.maxsi %sub3A_1061, %max3A_1063 : vector<16xi32>
      tpu.vector_store_idx %arg6[%broadcast_in_dim3A_7, %min3A_1058, %add3A_1052], %broadcast_in_dim3A_5 masked %lt3A_1055 : memref<1x496x128xf32, #tpu.memory_space<vmem>>[vector<16xi32>, vector<16xi32>, vector<16xi32>], vector<16xf32>, vector<16xi1>
      %not3A_1065 = arith.constant dense<true> : vector<16xi1>
      %not3A_1066 = arith.xori %lt3A_1055, %not3A_1065 : vector<16xi1>
      tpu.vector_store_idx %arg7[%broadcast_in_dim3A_7, %max3A_1064, %add3A_1052], %broadcast_in_dim3A_5 masked %not3A_1066 : memref<1x504x128xf32, #tpu.memory_space<vmem>>[vector<16xi32>, vector<16xi32>, vector<16xi32>], vector<16xf32>, vector<16xi1>
      %get3A_1067 = arith.constant 16 : index
      %get3A_1068 = tpu.vector_load %arg4[%get3A_1067] {strides = array<i32>} : memref<128xi32, #tpu.memory_space<vmem>>, vector<16xi32>,
      %add3A_1069 = arith.constant 16 : i32
      %add3A_1070 = vector.broadcast %add3A_1069 : i32 to vector<16xi32>
      %add3A_1071 = arith.addi %iota3A, %add3A_1070 : vector<16xi32>
      %lt3A_1072 = arith.constant 496 : i32
      %lt3A_1073 = vector.broadcast %lt3A_1072 : i32 to vector<16xi32>
      %lt3A_1074 = arith.cmpi slt, %get3A_1068, %lt3A_1073 : vector<16xi32>
      %min3A_1075 = arith.constant 495 : i32
      %min3A_1076 = vector.broadcast %min3A_1075 : i32 to vector<16xi32>
      %min3A_1077 = arith.minsi %get3A_1068, %min3A_1076 : vector<16xi32>
      %sub3A_1078 = arith.constant 496 : i32
      %sub3A_1079 = vector.broadcast %sub3A_1078 : i32 to vector<16xi32>
      %sub3A_1080 = arith.subi %get3A_1068, %sub3A_1079 : vector<16xi32>
      %max3A_1081 = arith.constant 0 : i32
      %max3A_1082 = vector.broadcast %max3A_1081 : i32 to vector<16xi32>
      %max3A_1083 = arith.maxsi %sub3A_1080, %max3A_1082 : vector<16xi32>
      tpu.vector_store_idx %arg6[%broadcast_in_dim3A_7, %min3A_1077, %add3A_1071], %broadcast_in_dim3A_5 masked %lt3A_1074 : memref<1x496x128xf32, #tpu.memory_space<vmem>>[vector<16xi32>, vector<16xi32>, vector<16xi32>], vector<16xf32>, vector<16xi1>
      %not3A_1084 = arith.constant dense<true> : vector<16xi1>
      %not3A_1085 = arith.xori %lt3A_1074, %not3A_1084 : vector<16xi1>
      tpu.vector_store_idx %arg7[%broadcast_in_dim3A_7, %max3A_1083, %add3A_1071], %broadcast_in_dim3A_5 masked %not3A_1085 : memref<1x504x128xf32, #tpu.memory_space<vmem>>[vector<16xi32>, vector<16xi32>, vector<16xi32>], vector<16xf32>, vector<16xi1>
      %get3A_1086 = arith.constant 32 : index
      %get3A_1087 = tpu.vector_load %arg4[%get3A_1086] {strides = array<i32>} : memref<128xi32, #tpu.memory_space<vmem>>, vector<16xi32>,
      %add3A_1088 = arith.constant 32 : i32
      %add3A_1089 = vector.broadcast %add3A_1088 : i32 to vector<16xi32>
      %add3A_1090 = arith.addi %iota3A, %add3A_1089 : vector<16xi32>
      %lt3A_1091 = arith.constant 496 : i32
      %lt3A_1092 = vector.broadcast %lt3A_1091 : i32 to vector<16xi32>
      %lt3A_1093 = arith.cmpi slt, %get3A_1087, %lt3A_1092 : vector<16xi32>
      %min3A_1094 = arith.constant 495 : i32
      %min3A_1095 = vector.broadcast %min3A_1094 : i32 to vector<16xi32>
      %min3A_1096 = arith.minsi %get3A_1087, %min3A_1095 : vector<16xi32>
      %sub3A_1097 = arith.constant 496 : i32
      %sub3A_1098 = vector.broadcast %sub3A_1097 : i32 to vector<16xi32>
      %sub3A_1099 = arith.subi %get3A_1087, %sub3A_1098 : vector<16xi32>
      %max3A_1100 = arith.constant 0 : i32
      %max3A_1101 = vector.broadcast %max3A_1100 : i32 to vector<16xi32>
      %max3A_1102 = arith.maxsi %sub3A_1099, %max3A_1101 : vector<16xi32>
      tpu.vector_store_idx %arg6[%broadcast_in_dim3A_7, %min3A_1096, %add3A_1090], %broadcast_in_dim3A_5 masked %lt3A_1093 : memref<1x496x128xf32, #tpu.memory_space<vmem>>[vector<16xi32>, vector<16xi32>, vector<16xi32>], vector<16xf32>, vector<16xi1>
      %not3A_1103 = arith.constant dense<true> : vector<16xi1>
      %not3A_1104 = arith.xori %lt3A_1093, %not3A_1103 : vector<16xi1>
      tpu.vector_store_idx %arg7[%broadcast_in_dim3A_7, %max3A_1102, %add3A_1090], %broadcast_in_dim3A_5 masked %not3A_1104 : memref<1x504x128xf32, #tpu.memory_space<vmem>>[vector<16xi32>, vector<16xi32>, vector<16xi32>], vector<16xf32>, vector<16xi1>
      %get3A_1105 = arith.constant 48 : index
      %get3A_1106 = tpu.vector_load %arg4[%get3A_1105] {strides = array<i32>} : memref<128xi32, #tpu.memory_space<vmem>>, vector<16xi32>,
      %add3A_1107 = arith.constant 48 : i32
      %add3A_1108 = vector.broadcast %add3A_1107 : i32 to vector<16xi32>
      %add3A_1109 = arith.addi %iota3A, %add3A_1108 : vector<16xi32>
      %lt3A_1110 = arith.constant 496 : i32
      %lt3A_1111 = vector.broadcast %lt3A_1110 : i32 to vector<16xi32>
      %lt3A_1112 = arith.cmpi slt, %get3A_1106, %lt3A_1111 : vector<16xi32>
      %min3A_1113 = arith.constant 495 : i32
      %min3A_1114 = vector.broadcast %min3A_1113 : i32 to vector<16xi32>
      %min3A_1115 = arith.minsi %get3A_1106, %min3A_1114 : vector<16xi32>
      %sub3A_1116 = arith.constant 496 : i32
      %sub3A_1117 = vector.broadcast %sub3A_1116 : i32 to vector<16xi32>
      %sub3A_1118 = arith.subi %get3A_1106, %sub3A_1117 : vector<16xi32>
      %max3A_1119 = arith.constant 0 : i32
      %max3A_1120 = vector.broadcast %max3A_1119 : i32 to vector<16xi32>
      %max3A_1121 = arith.maxsi %sub3A_1118, %max3A_1120 : vector<16xi32>
      tpu.vector_store_idx %arg6[%broadcast_in_dim3A_7, %min3A_1115, %add3A_1109], %broadcast_in_dim3A_5 masked %lt3A_1112 : memref<1x496x128xf32, #tpu.memory_space<vmem>>[vector<16xi32>, vector<16xi32>, vector<16xi32>], vector<16xf32>, vector<16xi1>
      %not3A_1122 = arith.constant dense<true> : vector<16xi1>
      %not3A_1123 = arith.xori %lt3A_1112, %not3A_1122 : vector<16xi1>
      tpu.vector_store_idx %arg7[%broadcast_in_dim3A_7, %max3A_1121, %add3A_1109], %broadcast_in_dim3A_5 masked %not3A_1123 : memref<1x504x128xf32, #tpu.memory_space<vmem>>[vector<16xi32>, vector<16xi32>, vector<16xi32>], vector<16xf32>, vector<16xi1>
      %get3A_1124 = arith.constant 64 : index
      %get3A_1125 = tpu.vector_load %arg4[%get3A_1124] {strides = array<i32>} : memref<128xi32, #tpu.memory_space<vmem>>, vector<16xi32>,
      %add3A_1126 = arith.constant 64 : i32
      %add3A_1127 = vector.broadcast %add3A_1126 : i32 to vector<16xi32>
      %add3A_1128 = arith.addi %iota3A, %add3A_1127 : vector<16xi32>
      %lt3A_1129 = arith.constant 496 : i32
      %lt3A_1130 = vector.broadcast %lt3A_1129 : i32 to vector<16xi32>
      %lt3A_1131 = arith.cmpi slt, %get3A_1125, %lt3A_1130 : vector<16xi32>
      %min3A_1132 = arith.constant 495 : i32
      %min3A_1133 = vector.broadcast %min3A_1132 : i32 to vector<16xi32>
      %min3A_1134 = arith.minsi %get3A_1125, %min3A_1133 : vector<16xi32>
      %sub3A_1135 = arith.constant 496 : i32
      %sub3A_1136 = vector.broadcast %sub3A_1135 : i32 to vector<16xi32>
      %sub3A_1137 = arith.subi %get3A_1125, %sub3A_1136 : vector<16xi32>
      %max3A_1138 = arith.constant 0 : i32
      %max3A_1139 = vector.broadcast %max3A_1138 : i32 to vector<16xi32>
      %max3A_1140 = arith.maxsi %sub3A_1137, %max3A_1139 : vector<16xi32>
      tpu.vector_store_idx %arg6[%broadcast_in_dim3A_7, %min3A_1134, %add3A_1128], %broadcast_in_dim3A_5 masked %lt3A_1131 : memref<1x496x128xf32, #tpu.memory_space<vmem>>[vector<16xi32>, vector<16xi32>, vector<16xi32>], vector<16xf32>, vector<16xi1>
      %not3A_1141 = arith.constant dense<true> : vector<16xi1>
      %not3A_1142 = arith.xori %lt3A_1131, %not3A_1141 : vector<16xi1>
      tpu.vector_store_idx %arg7[%broadcast_in_dim3A_7, %max3A_1140, %add3A_1128], %broadcast_in_dim3A_5 masked %not3A_1142 : memref<1x504x128xf32, #tpu.memory_space<vmem>>[vector<16xi32>, vector<16xi32>, vector<16xi32>], vector<16xf32>, vector<16xi1>
      %get3A_1143 = arith.constant 80 : index
      %get3A_1144 = tpu.vector_load %arg4[%get3A_1143] {strides = array<i32>} : memref<128xi32, #tpu.memory_space<vmem>>, vector<16xi32>,
      %add3A_1145 = arith.constant 80 : i32
      %add3A_1146 = vector.broadcast %add3A_1145 : i32 to vector<16xi32>
      %add3A_1147 = arith.addi %iota3A, %add3A_1146 : vector<16xi32>
      %lt3A_1148 = arith.constant 496 : i32
      %lt3A_1149 = vector.broadcast %lt3A_1148 : i32 to vector<16xi32>
      %lt3A_1150 = arith.cmpi slt, %get3A_1144, %lt3A_1149 : vector<16xi32>
      %min3A_1151 = arith.constant 495 : i32
      %min3A_1152 = vector.broadcast %min3A_1151 : i32 to vector<16xi32>
      %min3A_1153 = arith.minsi %get3A_1144, %min3A_1152 : vector<16xi32>
      %sub3A_1154 = arith.constant 496 : i32
      %sub3A_1155 = vector.broadcast %sub3A_1154 : i32 to vector<16xi32>
      %sub3A_1156 = arith.subi %get3A_1144, %sub3A_1155 : vector<16xi32>
      %max3A_1157 = arith.constant 0 : i32
      %max3A_1158 = vector.broadcast %max3A_1157 : i32 to vector<16xi32>
      %max3A_1159 = arith.maxsi %sub3A_1156, %max3A_1158 : vector<16xi32>
      tpu.vector_store_idx %arg6[%broadcast_in_dim3A_7, %min3A_1153, %add3A_1147], %broadcast_in_dim3A_5 masked %lt3A_1150 : memref<1x496x128xf32, #tpu.memory_space<vmem>>[vector<16xi32>, vector<16xi32>, vector<16xi32>], vector<16xf32>, vector<16xi1>
      %not3A_1160 = arith.constant dense<true> : vector<16xi1>
      %not3A_1161 = arith.xori %lt3A_1150, %not3A_1160 : vector<16xi1>
      tpu.vector_store_idx %arg7[%broadcast_in_dim3A_7, %max3A_1159, %add3A_1147], %broadcast_in_dim3A_5 masked %not3A_1161 : memref<1x504x128xf32, #tpu.memory_space<vmem>>[vector<16xi32>, vector<16xi32>, vector<16xi32>], vector<16xf32>, vector<16xi1>
      %get3A_1162 = arith.constant 96 : index
      %get3A_1163 = tpu.vector_load %arg4[%get3A_1162] {strides = array<i32>} : memref<128xi32, #tpu.memory_space<vmem>>, vector<16xi32>,
      %add3A_1164 = arith.constant 96 : i32
      %add3A_1165 = vector.broadcast %add3A_1164 : i32 to vector<16xi32>
      %add3A_1166 = arith.addi %iota3A, %add3A_1165 : vector<16xi32>
      %lt3A_1167 = arith.constant 496 : i32
      %lt3A_1168 = vector.broadcast %lt3A_1167 : i32 to vector<16xi32>
      %lt3A_1169 = arith.cmpi slt, %get3A_1163, %lt3A_1168 : vector<16xi32>
      %min3A_1170 = arith.constant 495 : i32
      %min3A_1171 = vector.broadcast %min3A_1170 : i32 to vector<16xi32>
      %min3A_1172 = arith.minsi %get3A_1163, %min3A_1171 : vector<16xi32>
      %sub3A_1173 = arith.constant 496 : i32
      %sub3A_1174 = vector.broadcast %sub3A_1173 : i32 to vector<16xi32>
      %sub3A_1175 = arith.subi %get3A_1163, %sub3A_1174 : vector<16xi32>
      %max3A_1176 = arith.constant 0 : i32
      %max3A_1177 = vector.broadcast %max3A_1176 : i32 to vector<16xi32>
      %max3A_1178 = arith.maxsi %sub3A_1175, %max3A_1177 : vector<16xi32>
      tpu.vector_store_idx %arg6[%broadcast_in_dim3A_7, %min3A_1172, %add3A_1166], %broadcast_in_dim3A_5 masked %lt3A_1169 : memref<1x496x128xf32, #tpu.memory_space<vmem>>[vector<16xi32>, vector<16xi32>, vector<16xi32>], vector<16xf32>, vector<16xi1>
      %not3A_1179 = arith.constant dense<true> : vector<16xi1>
      %not3A_1180 = arith.xori %lt3A_1169, %not3A_1179 : vector<16xi1>
      tpu.vector_store_idx %arg7[%broadcast_in_dim3A_7, %max3A_1178, %add3A_1166], %broadcast_in_dim3A_5 masked %not3A_1180 : memref<1x504x128xf32, #tpu.memory_space<vmem>>[vector<16xi32>, vector<16xi32>, vector<16xi32>], vector<16xf32>, vector<16xi1>
      %get3A_1181 = arith.constant 112 : index
      %get3A_1182 = tpu.vector_load %arg4[%get3A_1181] {strides = array<i32>} : memref<128xi32, #tpu.memory_space<vmem>>, vector<16xi32>,
      %add3A_1183 = arith.constant 112 : i32
      %add3A_1184 = vector.broadcast %add3A_1183 : i32 to vector<16xi32>
      %add3A_1185 = arith.addi %iota3A, %add3A_1184 : vector<16xi32>
      %lt3A_1186 = arith.constant 496 : i32
      %lt3A_1187 = vector.broadcast %lt3A_1186 : i32 to vector<16xi32>
      %lt3A_1188 = arith.cmpi slt, %get3A_1182, %lt3A_1187 : vector<16xi32>
      %min3A_1189 = arith.constant 495 : i32
      %min3A_1190 = vector.broadcast %min3A_1189 : i32 to vector<16xi32>
      %min3A_1191 = arith.minsi %get3A_1182, %min3A_1190 : vector<16xi32>
      %sub3A_1192 = arith.constant 496 : i32
      %sub3A_1193 = vector.broadcast %sub3A_1192 : i32 to vector<16xi32>
      %sub3A_1194 = arith.subi %get3A_1182, %sub3A_1193 : vector<16xi32>
      %max3A_1195 = arith.constant 0 : i32
      %max3A_1196 = vector.broadcast %max3A_1195 : i32 to vector<16xi32>
      %max3A_1197 = arith.maxsi %sub3A_1194, %max3A_1196 : vector<16xi32>
      tpu.vector_store_idx %arg6[%broadcast_in_dim3A_7, %min3A_1191, %add3A_1185], %broadcast_in_dim3A_5 masked %lt3A_1188 : memref<1x496x128xf32, #tpu.memory_space<vmem>>[vector<16xi32>, vector<16xi32>, vector<16xi32>], vector<16xf32>, vector<16xi1>
      %not3A_1198 = arith.constant dense<true> : vector<16xi1>
      %not3A_1199 = arith.xori %lt3A_1188, %not3A_1198 : vector<16xi1>
      tpu.vector_store_idx %arg7[%broadcast_in_dim3A_7, %max3A_1197, %add3A_1185], %broadcast_in_dim3A_5 masked %not3A_1199 : memref<1x504x128xf32, #tpu.memory_space<vmem>>[vector<16xi32>, vector<16xi32>, vector<16xi32>], vector<16xf32>, vector<16xi1>
      %dma_start3A_1200 = arith.constant 0 : i32
      %dma_start3A_1201 = tpu.memref_slice %arg3[%add3A_875, %dma_start3A_1200, %mul3A_2] : memref<26x1000x4096xf32, #tpu.memory_space<hbm>> -> memref<1x496x128xf32, #tpu.memory_space<hbm>>
      %dma_start3A_1202 = arith.constant 0 : i32
      %dma_start3A_1203 = tpu.memref_slice %arg3[%add3A_875, %dma_start3A_1202, %mul3A_2] : memref<26x1000x4096xf32, #tpu.memory_space<hbm>> -> memref<1x496x128xf32, #tpu.memory_space<hbm>>
      tpu.enqueue_dma source(%arg6 : memref<1x496x128xf32, #tpu.memory_space<vmem>>) target(%dma_start3A_1203 : memref<1x496x128xf32, #tpu.memory_space<hbm>>) target_semaphore(%arg10 : memref<!tpu.dma_semaphore, #tpu.memory_space<semaphore_mem>>)
      %dma_start3A_1204 = arith.constant 496 : i32
      %dma_start3A_1205 = tpu.memref_slice %arg3[%add3A_875, %dma_start3A_1204, %mul3A_2] : memref<26x1000x4096xf32, #tpu.memory_space<hbm>> -> memref<1x504x128xf32, #tpu.memory_space<hbm>>
      %dma_start3A_1206 = arith.constant 496 : i32
      %dma_start3A_1207 = tpu.memref_slice %arg3[%add3A_875, %dma_start3A_1206, %mul3A_2] : memref<26x1000x4096xf32, #tpu.memory_space<hbm>> -> memref<1x504x128xf32, #tpu.memory_space<hbm>>
      tpu.enqueue_dma source(%arg7 : memref<1x504x128xf32, #tpu.memory_space<vmem>>) target(%dma_start3A_1207 : memref<1x504x128xf32, #tpu.memory_space<hbm>>) target_semaphore(%arg11 : memref<!tpu.dma_semaphore, #tpu.memory_space<semaphore_mem>>)
    }
    %scan3A_186 = arith.constant 12 : i32
    %dma_wait3A_187 = arith.constant 25 : i32
    %dma_wait3A_188 = arith.constant 0 : i32
    %dma_wait3A_189 = tpu.memref_slice %arg3[%dma_wait3A_187, %dma_wait3A_188, %mul3A_2] : memref<26x1000x4096xf32, #tpu.memory_space<hbm>> -> memref<1x496x128xf32, #tpu.memory_space<hbm>>
    %dma_wait3A_190 = arith.constant 25 : i32
    %dma_wait3A_191 = arith.constant 0 : i32
    %dma_wait3A_192 = tpu.memref_slice %arg3[%dma_wait3A_190, %dma_wait3A_191, %mul3A_2] : memref<26x1000x4096xf32, #tpu.memory_space<hbm>> -> memref<1x496x128xf32, #tpu.memory_space<hbm>>
    tpu.wait_dma2 semaphore(%arg10 : memref<!tpu.dma_semaphore, #tpu.memory_space<semaphore_mem>>) src(%arg6 : memref<1x496x128xf32, #tpu.memory_space<vmem>>) dst(%dma_wait3A_192 : memref<1x496x128xf32, #tpu.memory_space<hbm>>)
    %dma_wait3A_193 = arith.constant 25 : i32
    %dma_wait3A_194 = arith.constant 496 : i32
    %dma_wait3A_195 = tpu.memref_slice %arg3[%dma_wait3A_193, %dma_wait3A_194, %mul3A_2] : memref<26x1000x4096xf32, #tpu.memory_space<hbm>> -> memref<1x504x128xf32, #tpu.memory_space<hbm>>
    %dma_wait3A_196 = arith.constant 25 : i32
    %dma_wait3A_197 = arith.constant 496 : i32
    %dma_wait3A_198 = tpu.memref_slice %arg3[%dma_wait3A_196, %dma_wait3A_197, %mul3A_2] : memref<26x1000x4096xf32, #tpu.memory_space<hbm>> -> memref<1x504x128xf32, #tpu.memory_space<hbm>>
    tpu.wait_dma2 semaphore(%arg11 : memref<!tpu.dma_semaphore, #tpu.memory_space<semaphore_mem>>) src(%arg7 : memref<1x504x128xf32, #tpu.memory_space<vmem>>) dst(%dma_wait3A_198 : memref<1x504x128xf32, #tpu.memory_space<hbm>>)
    %get3A_199 = arith.constant 0 : index
    %get3A_200 = tpu.vector_load %arg4[%get3A_199] {strides = array<i32>} : memref<128xi32, #tpu.memory_space<vmem>>, vector<16xi32>,
    %add3A_201 = arith.constant 0 : i32
    %add3A_202 = vector.broadcast %add3A_201 : i32 to vector<16xi32>
    %add3A_203 = arith.addi %iota3A, %add3A_202 : vector<16xi32>
    %lt3A_204 = arith.constant 496 : i32
    %lt3A_205 = vector.broadcast %lt3A_204 : i32 to vector<16xi32>
    %lt3A_206 = arith.cmpi slt, %get3A_200, %lt3A_205 : vector<16xi32>
    %min3A_207 = arith.constant 495 : i32
    %min3A_208 = vector.broadcast %min3A_207 : i32 to vector<16xi32>
    %min3A_209 = arith.minsi %get3A_200, %min3A_208 : vector<16xi32>
    %sub3A_210 = arith.constant 496 : i32
    %sub3A_211 = vector.broadcast %sub3A_210 : i32 to vector<16xi32>
    %sub3A_212 = arith.subi %get3A_200, %sub3A_211 : vector<16xi32>
    %max3A_213 = arith.constant 0 : i32
    %max3A_214 = vector.broadcast %max3A_213 : i32 to vector<16xi32>
    %max3A_215 = arith.maxsi %sub3A_212, %max3A_214 : vector<16xi32>
    tpu.vector_store_idx %arg6[%broadcast_in_dim3A_7, %min3A_209, %add3A_203], %broadcast_in_dim3A_3 masked %lt3A_206 : memref<1x496x128xf32, #tpu.memory_space<vmem>>[vector<16xi32>, vector<16xi32>, vector<16xi32>], vector<16xf32>, vector<16xi1>
    %not3A_216 = arith.constant dense<true> : vector<16xi1>
    %not3A_217 = arith.xori %lt3A_206, %not3A_216 : vector<16xi1>
    tpu.vector_store_idx %arg7[%broadcast_in_dim3A_7, %max3A_215, %add3A_203], %broadcast_in_dim3A_3 masked %not3A_217 : memref<1x504x128xf32, #tpu.memory_space<vmem>>[vector<16xi32>, vector<16xi32>, vector<16xi32>], vector<16xf32>, vector<16xi1>
    %get3A_218 = arith.constant 16 : index
    %get3A_219 = tpu.vector_load %arg4[%get3A_218] {strides = array<i32>} : memref<128xi32, #tpu.memory_space<vmem>>, vector<16xi32>,
    %add3A_220 = arith.constant 16 : i32
    %add3A_221 = vector.broadcast %add3A_220 : i32 to vector<16xi32>
    %add3A_222 = arith.addi %iota3A, %add3A_221 : vector<16xi32>
    %lt3A_223 = arith.constant 496 : i32
    %lt3A_224 = vector.broadcast %lt3A_223 : i32 to vector<16xi32>
    %lt3A_225 = arith.cmpi slt, %get3A_219, %lt3A_224 : vector<16xi32>
    %min3A_226 = arith.constant 495 : i32
    %min3A_227 = vector.broadcast %min3A_226 : i32 to vector<16xi32>
    %min3A_228 = arith.minsi %get3A_219, %min3A_227 : vector<16xi32>
    %sub3A_229 = arith.constant 496 : i32
    %sub3A_230 = vector.broadcast %sub3A_229 : i32 to vector<16xi32>
    %sub3A_231 = arith.subi %get3A_219, %sub3A_230 : vector<16xi32>
    %max3A_232 = arith.constant 0 : i32
    %max3A_233 = vector.broadcast %max3A_232 : i32 to vector<16xi32>
    %max3A_234 = arith.maxsi %sub3A_231, %max3A_233 : vector<16xi32>
    tpu.vector_store_idx %arg6[%broadcast_in_dim3A_7, %min3A_228, %add3A_222], %broadcast_in_dim3A_3 masked %lt3A_225 : memref<1x496x128xf32, #tpu.memory_space<vmem>>[vector<16xi32>, vector<16xi32>, vector<16xi32>], vector<16xf32>, vector<16xi1>
    %not3A_235 = arith.constant dense<true> : vector<16xi1>
    %not3A_236 = arith.xori %lt3A_225, %not3A_235 : vector<16xi1>
    tpu.vector_store_idx %arg7[%broadcast_in_dim3A_7, %max3A_234, %add3A_222], %broadcast_in_dim3A_3 masked %not3A_236 : memref<1x504x128xf32, #tpu.memory_space<vmem>>[vector<16xi32>, vector<16xi32>, vector<16xi32>], vector<16xf32>, vector<16xi1>
    %get3A_237 = arith.constant 32 : index
    %get3A_238 = tpu.vector_load %arg4[%get3A_237] {strides = array<i32>} : memref<128xi32, #tpu.memory_space<vmem>>, vector<16xi32>,
    %add3A_239 = arith.constant 32 : i32
    %add3A_240 = vector.broadcast %add3A_239 : i32 to vector<16xi32>
    %add3A_241 = arith.addi %iota3A, %add3A_240 : vector<16xi32>
    %lt3A_242 = arith.constant 496 : i32
    %lt3A_243 = vector.broadcast %lt3A_242 : i32 to vector<16xi32>
    %lt3A_244 = arith.cmpi slt, %get3A_238, %lt3A_243 : vector<16xi32>
    %min3A_245 = arith.constant 495 : i32
    %min3A_246 = vector.broadcast %min3A_245 : i32 to vector<16xi32>
    %min3A_247 = arith.minsi %get3A_238, %min3A_246 : vector<16xi32>
    %sub3A_248 = arith.constant 496 : i32
    %sub3A_249 = vector.broadcast %sub3A_248 : i32 to vector<16xi32>
    %sub3A_250 = arith.subi %get3A_238, %sub3A_249 : vector<16xi32>
    %max3A_251 = arith.constant 0 : i32
    %max3A_252 = vector.broadcast %max3A_251 : i32 to vector<16xi32>
    %max3A_253 = arith.maxsi %sub3A_250, %max3A_252 : vector<16xi32>
    tpu.vector_store_idx %arg6[%broadcast_in_dim3A_7, %min3A_247, %add3A_241], %broadcast_in_dim3A_3 masked %lt3A_244 : memref<1x496x128xf32, #tpu.memory_space<vmem>>[vector<16xi32>, vector<16xi32>, vector<16xi32>], vector<16xf32>, vector<16xi1>
    %not3A_254 = arith.constant dense<true> : vector<16xi1>
    %not3A_255 = arith.xori %lt3A_244, %not3A_254 : vector<16xi1>
    tpu.vector_store_idx %arg7[%broadcast_in_dim3A_7, %max3A_253, %add3A_241], %broadcast_in_dim3A_3 masked %not3A_255 : memref<1x504x128xf32, #tpu.memory_space<vmem>>[vector<16xi32>, vector<16xi32>, vector<16xi32>], vector<16xf32>, vector<16xi1>
    %get3A_256 = arith.constant 48 : index
    %get3A_257 = tpu.vector_load %arg4[%get3A_256] {strides = array<i32>} : memref<128xi32, #tpu.memory_space<vmem>>, vector<16xi32>,
    %add3A_258 = arith.constant 48 : i32
    %add3A_259 = vector.broadcast %add3A_258 : i32 to vector<16xi32>
    %add3A_260 = arith.addi %iota3A, %add3A_259 : vector<16xi32>
    %lt3A_261 = arith.constant 496 : i32
    %lt3A_262 = vector.broadcast %lt3A_261 : i32 to vector<16xi32>
    %lt3A_263 = arith.cmpi slt, %get3A_257, %lt3A_262 : vector<16xi32>
    %min3A_264 = arith.constant 495 : i32
    %min3A_265 = vector.broadcast %min3A_264 : i32 to vector<16xi32>
    %min3A_266 = arith.minsi %get3A_257, %min3A_265 : vector<16xi32>
    %sub3A_267 = arith.constant 496 : i32
    %sub3A_268 = vector.broadcast %sub3A_267 : i32 to vector<16xi32>
    %sub3A_269 = arith.subi %get3A_257, %sub3A_268 : vector<16xi32>
    %max3A_270 = arith.constant 0 : i32
    %max3A_271 = vector.broadcast %max3A_270 : i32 to vector<16xi32>
    %max3A_272 = arith.maxsi %sub3A_269, %max3A_271 : vector<16xi32>
    tpu.vector_store_idx %arg6[%broadcast_in_dim3A_7, %min3A_266, %add3A_260], %broadcast_in_dim3A_3 masked %lt3A_263 : memref<1x496x128xf32, #tpu.memory_space<vmem>>[vector<16xi32>, vector<16xi32>, vector<16xi32>], vector<16xf32>, vector<16xi1>
    %not3A_273 = arith.constant dense<true> : vector<16xi1>
    %not3A_274 = arith.xori %lt3A_263, %not3A_273 : vector<16xi1>
    tpu.vector_store_idx %arg7[%broadcast_in_dim3A_7, %max3A_272, %add3A_260], %broadcast_in_dim3A_3 masked %not3A_274 : memref<1x504x128xf32, #tpu.memory_space<vmem>>[vector<16xi32>, vector<16xi32>, vector<16xi32>], vector<16xf32>, vector<16xi1>
    %get3A_275 = arith.constant 64 : index
    %get3A_276 = tpu.vector_load %arg4[%get3A_275] {strides = array<i32>} : memref<128xi32, #tpu.memory_space<vmem>>, vector<16xi32>,
    %add3A_277 = arith.constant 64 : i32
    %add3A_278 = vector.broadcast %add3A_277 : i32 to vector<16xi32>
    %add3A_279 = arith.addi %iota3A, %add3A_278 : vector<16xi32>
    %lt3A_280 = arith.constant 496 : i32
    %lt3A_281 = vector.broadcast %lt3A_280 : i32 to vector<16xi32>
    %lt3A_282 = arith.cmpi slt, %get3A_276, %lt3A_281 : vector<16xi32>
    %min3A_283 = arith.constant 495 : i32
    %min3A_284 = vector.broadcast %min3A_283 : i32 to vector<16xi32>
    %min3A_285 = arith.minsi %get3A_276, %min3A_284 : vector<16xi32>
    %sub3A_286 = arith.constant 496 : i32
    %sub3A_287 = vector.broadcast %sub3A_286 : i32 to vector<16xi32>
    %sub3A_288 = arith.subi %get3A_276, %sub3A_287 : vector<16xi32>
    %max3A_289 = arith.constant 0 : i32
    %max3A_290 = vector.broadcast %max3A_289 : i32 to vector<16xi32>
    %max3A_291 = arith.maxsi %sub3A_288, %max3A_290 : vector<16xi32>
    tpu.vector_store_idx %arg6[%broadcast_in_dim3A_7, %min3A_285, %add3A_279], %broadcast_in_dim3A_3 masked %lt3A_282 : memref<1x496x128xf32, #tpu.memory_space<vmem>>[vector<16xi32>, vector<16xi32>, vector<16xi32>], vector<16xf32>, vector<16xi1>
    %not3A_292 = arith.constant dense<true> : vector<16xi1>
    %not3A_293 = arith.xori %lt3A_282, %not3A_292 : vector<16xi1>
    tpu.vector_store_idx %arg7[%broadcast_in_dim3A_7, %max3A_291, %add3A_279], %broadcast_in_dim3A_3 masked %not3A_293 : memref<1x504x128xf32, #tpu.memory_space<vmem>>[vector<16xi32>, vector<16xi32>, vector<16xi32>], vector<16xf32>, vector<16xi1>
    %get3A_294 = arith.constant 80 : index
    %get3A_295 = tpu.vector_load %arg4[%get3A_294] {strides = array<i32>} : memref<128xi32, #tpu.memory_space<vmem>>, vector<16xi32>,
    %add3A_296 = arith.constant 80 : i32
    %add3A_297 = vector.broadcast %add3A_296 : i32 to vector<16xi32>
    %add3A_298 = arith.addi %iota3A, %add3A_297 : vector<16xi32>
    %lt3A_299 = arith.constant 496 : i32
    %lt3A_300 = vector.broadcast %lt3A_299 : i32 to vector<16xi32>
    %lt3A_301 = arith.cmpi slt, %get3A_295, %lt3A_300 : vector<16xi32>
    %min3A_302 = arith.constant 495 : i32
    %min3A_303 = vector.broadcast %min3A_302 : i32 to vector<16xi32>
    %min3A_304 = arith.minsi %get3A_295, %min3A_303 : vector<16xi32>
    %sub3A_305 = arith.constant 496 : i32
    %sub3A_306 = vector.broadcast %sub3A_305 : i32 to vector<16xi32>
    %sub3A_307 = arith.subi %get3A_295, %sub3A_306 : vector<16xi32>
    %max3A_308 = arith.constant 0 : i32
    %max3A_309 = vector.broadcast %max3A_308 : i32 to vector<16xi32>
    %max3A_310 = arith.maxsi %sub3A_307, %max3A_309 : vector<16xi32>
    tpu.vector_store_idx %arg6[%broadcast_in_dim3A_7, %min3A_304, %add3A_298], %broadcast_in_dim3A_3 masked %lt3A_301 : memref<1x496x128xf32, #tpu.memory_space<vmem>>[vector<16xi32>, vector<16xi32>, vector<16xi32>], vector<16xf32>, vector<16xi1>
    %not3A_311 = arith.constant dense<true> : vector<16xi1>
    %not3A_312 = arith.xori %lt3A_301, %not3A_311 : vector<16xi1>
    tpu.vector_store_idx %arg7[%broadcast_in_dim3A_7, %max3A_310, %add3A_298], %broadcast_in_dim3A_3 masked %not3A_312 : memref<1x504x128xf32, #tpu.memory_space<vmem>>[vector<16xi32>, vector<16xi32>, vector<16xi32>], vector<16xf32>, vector<16xi1>
    %get3A_313 = arith.constant 96 : index
    %get3A_314 = tpu.vector_load %arg4[%get3A_313] {strides = array<i32>} : memref<128xi32, #tpu.memory_space<vmem>>, vector<16xi32>,
    %add3A_315 = arith.constant 96 : i32
    %add3A_316 = vector.broadcast %add3A_315 : i32 to vector<16xi32>
    %add3A_317 = arith.addi %iota3A, %add3A_316 : vector<16xi32>
    %lt3A_318 = arith.constant 496 : i32
    %lt3A_319 = vector.broadcast %lt3A_318 : i32 to vector<16xi32>
    %lt3A_320 = arith.cmpi slt, %get3A_314, %lt3A_319 : vector<16xi32>
    %min3A_321 = arith.constant 495 : i32
    %min3A_322 = vector.broadcast %min3A_321 : i32 to vector<16xi32>
    %min3A_323 = arith.minsi %get3A_314, %min3A_322 : vector<16xi32>
    %sub3A_324 = arith.constant 496 : i32
    %sub3A_325 = vector.broadcast %sub3A_324 : i32 to vector<16xi32>
    %sub3A_326 = arith.subi %get3A_314, %sub3A_325 : vector<16xi32>
    %max3A_327 = arith.constant 0 : i32
    %max3A_328 = vector.broadcast %max3A_327 : i32 to vector<16xi32>
    %max3A_329 = arith.maxsi %sub3A_326, %max3A_328 : vector<16xi32>
    tpu.vector_store_idx %arg6[%broadcast_in_dim3A_7, %min3A_323, %add3A_317], %broadcast_in_dim3A_3 masked %lt3A_320 : memref<1x496x128xf32, #tpu.memory_space<vmem>>[vector<16xi32>, vector<16xi32>, vector<16xi32>], vector<16xf32>, vector<16xi1>
    %not3A_330 = arith.constant dense<true> : vector<16xi1>
    %not3A_331 = arith.xori %lt3A_320, %not3A_330 : vector<16xi1>
    tpu.vector_store_idx %arg7[%broadcast_in_dim3A_7, %max3A_329, %add3A_317], %broadcast_in_dim3A_3 masked %not3A_331 : memref<1x504x128xf32, #tpu.memory_space<vmem>>[vector<16xi32>, vector<16xi32>, vector<16xi32>], vector<16xf32>, vector<16xi1>
    %get3A_332 = arith.constant 112 : index
    %get3A_333 = tpu.vector_load %arg4[%get3A_332] {strides = array<i32>} : memref<128xi32, #tpu.memory_space<vmem>>, vector<16xi32>,
    %add3A_334 = arith.constant 112 : i32
    %add3A_335 = vector.broadcast %add3A_334 : i32 to vector<16xi32>
    %add3A_336 = arith.addi %iota3A, %add3A_335 : vector<16xi32>
    %lt3A_337 = arith.constant 496 : i32
    %lt3A_338 = vector.broadcast %lt3A_337 : i32 to vector<16xi32>
    %lt3A_339 = arith.cmpi slt, %get3A_333, %lt3A_338 : vector<16xi32>
    %min3A_340 = arith.constant 495 : i32
    %min3A_341 = vector.broadcast %min3A_340 : i32 to vector<16xi32>
    %min3A_342 = arith.minsi %get3A_333, %min3A_341 : vector<16xi32>
    %sub3A_343 = arith.constant 496 : i32
    %sub3A_344 = vector.broadcast %sub3A_343 : i32 to vector<16xi32>
    %sub3A_345 = arith.subi %get3A_333, %sub3A_344 : vector<16xi32>
    %max3A_346 = arith.constant 0 : i32
    %max3A_347 = vector.broadcast %max3A_346 : i32 to vector<16xi32>
    %max3A_348 = arith.maxsi %sub3A_345, %max3A_347 : vector<16xi32>
    tpu.vector_store_idx %arg6[%broadcast_in_dim3A_7, %min3A_342, %add3A_336], %broadcast_in_dim3A_3 masked %lt3A_339 : memref<1x496x128xf32, #tpu.memory_space<vmem>>[vector<16xi32>, vector<16xi32>, vector<16xi32>], vector<16xf32>, vector<16xi1>
    %not3A_349 = arith.constant dense<true> : vector<16xi1>
    %not3A_350 = arith.xori %lt3A_339, %not3A_349 : vector<16xi1>
    tpu.vector_store_idx %arg7[%broadcast_in_dim3A_7, %max3A_348, %add3A_336], %broadcast_in_dim3A_3 masked %not3A_350 : memref<1x504x128xf32, #tpu.memory_space<vmem>>[vector<16xi32>, vector<16xi32>, vector<16xi32>], vector<16xf32>, vector<16xi1>
    %add3A_351 = arith.constant 102400 : i32
    %add3A_352 = arith.addi %add3A_351, %mul3A_2 : i32
    %dma_wait3A_353 = tpu.memref_slice %arg2[%add3A_352] : memref<106496xi32, #tpu.memory_space<hbm>> -> memref<128xi32, #tpu.memory_space<hbm>>
    %dma_wait3A_354 = tpu.memref_slice %arg2[%add3A_352] : memref<106496xi32, #tpu.memory_space<hbm>> -> memref<128xi32, #tpu.memory_space<hbm>>
    tpu.wait_dma2 semaphore(%arg9 : memref<!tpu.dma_semaphore, #tpu.memory_space<semaphore_mem>>) src(%dma_wait3A_354 : memref<128xi32, #tpu.memory_space<hbm>>) dst(%arg5 : memref<128xi32, #tpu.memory_space<vmem>>)
    %get3A_355 = arith.constant 0 : index
    %get3A_356 = tpu.vector_load %arg5[%get3A_355] {strides = array<i32>} : memref<128xi32, #tpu.memory_space<vmem>>, vector<16xi32>,
    %add3A_357 = arith.constant 0 : i32
    %add3A_358 = vector.broadcast %add3A_357 : i32 to vector<16xi32>
    %add3A_359 = arith.addi %iota3A, %add3A_358 : vector<16xi32>
    %lt3A_360 = arith.constant 496 : i32
    %lt3A_361 = vector.broadcast %lt3A_360 : i32 to vector<16xi32>
    %lt3A_362 = arith.cmpi slt, %get3A_356, %lt3A_361 : vector<16xi32>
    %min3A_363 = arith.constant 495 : i32
    %min3A_364 = vector.broadcast %min3A_363 : i32 to vector<16xi32>
    %min3A_365 = arith.minsi %get3A_356, %min3A_364 : vector<16xi32>
    %sub3A_366 = arith.constant 496 : i32
    %sub3A_367 = vector.broadcast %sub3A_366 : i32 to vector<16xi32>
    %sub3A_368 = arith.subi %get3A_356, %sub3A_367 : vector<16xi32>
    %max3A_369 = arith.constant 0 : i32
    %max3A_370 = vector.broadcast %max3A_369 : i32 to vector<16xi32>
    %max3A_371 = arith.maxsi %sub3A_368, %max3A_370 : vector<16xi32>
    tpu.vector_store_idx %arg6[%broadcast_in_dim3A_7, %min3A_365, %add3A_359], %broadcast_in_dim3A_5 masked %lt3A_362 : memref<1x496x128xf32, #tpu.memory_space<vmem>>[vector<16xi32>, vector<16xi32>, vector<16xi32>], vector<16xf32>, vector<16xi1>
    %not3A_372 = arith.constant dense<true> : vector<16xi1>
    %not3A_373 = arith.xori %lt3A_362, %not3A_372 : vector<16xi1>
    tpu.vector_store_idx %arg7[%broadcast_in_dim3A_7, %max3A_371, %add3A_359], %broadcast_in_dim3A_5 masked %not3A_373 : memref<1x504x128xf32, #tpu.memory_space<vmem>>[vector<16xi32>, vector<16xi32>, vector<16xi32>], vector<16xf32>, vector<16xi1>
    %get3A_374 = arith.constant 16 : index
    %get3A_375 = tpu.vector_load %arg5[%get3A_374] {strides = array<i32>} : memref<128xi32, #tpu.memory_space<vmem>>, vector<16xi32>,
    %add3A_376 = arith.constant 16 : i32
    %add3A_377 = vector.broadcast %add3A_376 : i32 to vector<16xi32>
    %add3A_378 = arith.addi %iota3A, %add3A_377 : vector<16xi32>
    %lt3A_379 = arith.constant 496 : i32
    %lt3A_380 = vector.broadcast %lt3A_379 : i32 to vector<16xi32>
    %lt3A_381 = arith.cmpi slt, %get3A_375, %lt3A_380 : vector<16xi32>
    %min3A_382 = arith.constant 495 : i32
    %min3A_383 = vector.broadcast %min3A_382 : i32 to vector<16xi32>
    %min3A_384 = arith.minsi %get3A_375, %min3A_383 : vector<16xi32>
    %sub3A_385 = arith.constant 496 : i32
    %sub3A_386 = vector.broadcast %sub3A_385 : i32 to vector<16xi32>
    %sub3A_387 = arith.subi %get3A_375, %sub3A_386 : vector<16xi32>
    %max3A_388 = arith.constant 0 : i32
    %max3A_389 = vector.broadcast %max3A_388 : i32 to vector<16xi32>
    %max3A_390 = arith.maxsi %sub3A_387, %max3A_389 : vector<16xi32>
    tpu.vector_store_idx %arg6[%broadcast_in_dim3A_7, %min3A_384, %add3A_378], %broadcast_in_dim3A_5 masked %lt3A_381 : memref<1x496x128xf32, #tpu.memory_space<vmem>>[vector<16xi32>, vector<16xi32>, vector<16xi32>], vector<16xf32>, vector<16xi1>
    %not3A_391 = arith.constant dense<true> : vector<16xi1>
    %not3A_392 = arith.xori %lt3A_381, %not3A_391 : vector<16xi1>
    tpu.vector_store_idx %arg7[%broadcast_in_dim3A_7, %max3A_390, %add3A_378], %broadcast_in_dim3A_5 masked %not3A_392 : memref<1x504x128xf32, #tpu.memory_space<vmem>>[vector<16xi32>, vector<16xi32>, vector<16xi32>], vector<16xf32>, vector<16xi1>
    %get3A_393 = arith.constant 32 : index
    %get3A_394 = tpu.vector_load %arg5[%get3A_393] {strides = array<i32>} : memref<128xi32, #tpu.memory_space<vmem>>, vector<16xi32>,
    %add3A_395 = arith.constant 32 : i32
    %add3A_396 = vector.broadcast %add3A_395 : i32 to vector<16xi32>
    %add3A_397 = arith.addi %iota3A, %add3A_396 : vector<16xi32>
    %lt3A_398 = arith.constant 496 : i32
    %lt3A_399 = vector.broadcast %lt3A_398 : i32 to vector<16xi32>
    %lt3A_400 = arith.cmpi slt, %get3A_394, %lt3A_399 : vector<16xi32>
    %min3A_401 = arith.constant 495 : i32
    %min3A_402 = vector.broadcast %min3A_401 : i32 to vector<16xi32>
    %min3A_403 = arith.minsi %get3A_394, %min3A_402 : vector<16xi32>
    %sub3A_404 = arith.constant 496 : i32
    %sub3A_405 = vector.broadcast %sub3A_404 : i32 to vector<16xi32>
    %sub3A_406 = arith.subi %get3A_394, %sub3A_405 : vector<16xi32>
    %max3A_407 = arith.constant 0 : i32
    %max3A_408 = vector.broadcast %max3A_407 : i32 to vector<16xi32>
    %max3A_409 = arith.maxsi %sub3A_406, %max3A_408 : vector<16xi32>
    tpu.vector_store_idx %arg6[%broadcast_in_dim3A_7, %min3A_403, %add3A_397], %broadcast_in_dim3A_5 masked %lt3A_400 : memref<1x496x128xf32, #tpu.memory_space<vmem>>[vector<16xi32>, vector<16xi32>, vector<16xi32>], vector<16xf32>, vector<16xi1>
    %not3A_410 = arith.constant dense<true> : vector<16xi1>
    %not3A_411 = arith.xori %lt3A_400, %not3A_410 : vector<16xi1>
    tpu.vector_store_idx %arg7[%broadcast_in_dim3A_7, %max3A_409, %add3A_397], %broadcast_in_dim3A_5 masked %not3A_411 : memref<1x504x128xf32, #tpu.memory_space<vmem>>[vector<16xi32>, vector<16xi32>, vector<16xi32>], vector<16xf32>, vector<16xi1>
    %get3A_412 = arith.constant 48 : index
    %get3A_413 = tpu.vector_load %arg5[%get3A_412] {strides = array<i32>} : memref<128xi32, #tpu.memory_space<vmem>>, vector<16xi32>,
    %add3A_414 = arith.constant 48 : i32
    %add3A_415 = vector.broadcast %add3A_414 : i32 to vector<16xi32>
    %add3A_416 = arith.addi %iota3A, %add3A_415 : vector<16xi32>
    %lt3A_417 = arith.constant 496 : i32
    %lt3A_418 = vector.broadcast %lt3A_417 : i32 to vector<16xi32>
    %lt3A_419 = arith.cmpi slt, %get3A_413, %lt3A_418 : vector<16xi32>
    %min3A_420 = arith.constant 495 : i32
    %min3A_421 = vector.broadcast %min3A_420 : i32 to vector<16xi32>
    %min3A_422 = arith.minsi %get3A_413, %min3A_421 : vector<16xi32>
    %sub3A_423 = arith.constant 496 : i32
    %sub3A_424 = vector.broadcast %sub3A_423 : i32 to vector<16xi32>
    %sub3A_425 = arith.subi %get3A_413, %sub3A_424 : vector<16xi32>
    %max3A_426 = arith.constant 0 : i32
    %max3A_427 = vector.broadcast %max3A_426 : i32 to vector<16xi32>
    %max3A_428 = arith.maxsi %sub3A_425, %max3A_427 : vector<16xi32>
    tpu.vector_store_idx %arg6[%broadcast_in_dim3A_7, %min3A_422, %add3A_416], %broadcast_in_dim3A_5 masked %lt3A_419 : memref<1x496x128xf32, #tpu.memory_space<vmem>>[vector<16xi32>, vector<16xi32>, vector<16xi32>], vector<16xf32>, vector<16xi1>
    %not3A_429 = arith.constant dense<true> : vector<16xi1>
    %not3A_430 = arith.xori %lt3A_419, %not3A_429 : vector<16xi1>
    tpu.vector_store_idx %arg7[%broadcast_in_dim3A_7, %max3A_428, %add3A_416], %broadcast_in_dim3A_5 masked %not3A_430 : memref<1x504x128xf32, #tpu.memory_space<vmem>>[vector<16xi32>, vector<16xi32>, vector<16xi32>], vector<16xf32>, vector<16xi1>
    %get3A_431 = arith.constant 64 : index
    %get3A_432 = tpu.vector_load %arg5[%get3A_431] {strides = array<i32>} : memref<128xi32, #tpu.memory_space<vmem>>, vector<16xi32>,
    %add3A_433 = arith.constant 64 : i32
    %add3A_434 = vector.broadcast %add3A_433 : i32 to vector<16xi32>
    %add3A_435 = arith.addi %iota3A, %add3A_434 : vector<16xi32>
    %lt3A_436 = arith.constant 496 : i32
    %lt3A_437 = vector.broadcast %lt3A_436 : i32 to vector<16xi32>
    %lt3A_438 = arith.cmpi slt, %get3A_432, %lt3A_437 : vector<16xi32>
    %min3A_439 = arith.constant 495 : i32
    %min3A_440 = vector.broadcast %min3A_439 : i32 to vector<16xi32>
    %min3A_441 = arith.minsi %get3A_432, %min3A_440 : vector<16xi32>
    %sub3A_442 = arith.constant 496 : i32
    %sub3A_443 = vector.broadcast %sub3A_442 : i32 to vector<16xi32>
    %sub3A_444 = arith.subi %get3A_432, %sub3A_443 : vector<16xi32>
    %max3A_445 = arith.constant 0 : i32
    %max3A_446 = vector.broadcast %max3A_445 : i32 to vector<16xi32>
    %max3A_447 = arith.maxsi %sub3A_444, %max3A_446 : vector<16xi32>
    tpu.vector_store_idx %arg6[%broadcast_in_dim3A_7, %min3A_441, %add3A_435], %broadcast_in_dim3A_5 masked %lt3A_438 : memref<1x496x128xf32, #tpu.memory_space<vmem>>[vector<16xi32>, vector<16xi32>, vector<16xi32>], vector<16xf32>, vector<16xi1>
    %not3A_448 = arith.constant dense<true> : vector<16xi1>
    %not3A_449 = arith.xori %lt3A_438, %not3A_448 : vector<16xi1>
    tpu.vector_store_idx %arg7[%broadcast_in_dim3A_7, %max3A_447, %add3A_435], %broadcast_in_dim3A_5 masked %not3A_449 : memref<1x504x128xf32, #tpu.memory_space<vmem>>[vector<16xi32>, vector<16xi32>, vector<16xi32>], vector<16xf32>, vector<16xi1>
    %get3A_450 = arith.constant 80 : index
    %get3A_451 = tpu.vector_load %arg5[%get3A_450] {strides = array<i32>} : memref<128xi32, #tpu.memory_space<vmem>>, vector<16xi32>,
    %add3A_452 = arith.constant 80 : i32
    %add3A_453 = vector.broadcast %add3A_452 : i32 to vector<16xi32>
    %add3A_454 = arith.addi %iota3A, %add3A_453 : vector<16xi32>
    %lt3A_455 = arith.constant 496 : i32
    %lt3A_456 = vector.broadcast %lt3A_455 : i32 to vector<16xi32>
    %lt3A_457 = arith.cmpi slt, %get3A_451, %lt3A_456 : vector<16xi32>
    %min3A_458 = arith.constant 495 : i32
    %min3A_459 = vector.broadcast %min3A_458 : i32 to vector<16xi32>
    %min3A_460 = arith.minsi %get3A_451, %min3A_459 : vector<16xi32>
    %sub3A_461 = arith.constant 496 : i32
    %sub3A_462 = vector.broadcast %sub3A_461 : i32 to vector<16xi32>
    %sub3A_463 = arith.subi %get3A_451, %sub3A_462 : vector<16xi32>
    %max3A_464 = arith.constant 0 : i32
    %max3A_465 = vector.broadcast %max3A_464 : i32 to vector<16xi32>
    %max3A_466 = arith.maxsi %sub3A_463, %max3A_465 : vector<16xi32>
    tpu.vector_store_idx %arg6[%broadcast_in_dim3A_7, %min3A_460, %add3A_454], %broadcast_in_dim3A_5 masked %lt3A_457 : memref<1x496x128xf32, #tpu.memory_space<vmem>>[vector<16xi32>, vector<16xi32>, vector<16xi32>], vector<16xf32>, vector<16xi1>
    %not3A_467 = arith.constant dense<true> : vector<16xi1>
    %not3A_468 = arith.xori %lt3A_457, %not3A_467 : vector<16xi1>
    tpu.vector_store_idx %arg7[%broadcast_in_dim3A_7, %max3A_466, %add3A_454], %broadcast_in_dim3A_5 masked %not3A_468 : memref<1x504x128xf32, #tpu.memory_space<vmem>>[vector<16xi32>, vector<16xi32>, vector<16xi32>], vector<16xf32>, vector<16xi1>
    %get3A_469 = arith.constant 96 : index
    %get3A_470 = tpu.vector_load %arg5[%get3A_469] {strides = array<i32>} : memref<128xi32, #tpu.memory_space<vmem>>, vector<16xi32>,
    %add3A_471 = arith.constant 96 : i32
    %add3A_472 = vector.broadcast %add3A_471 : i32 to vector<16xi32>
    %add3A_473 = arith.addi %iota3A, %add3A_472 : vector<16xi32>
    %lt3A_474 = arith.constant 496 : i32
    %lt3A_475 = vector.broadcast %lt3A_474 : i32 to vector<16xi32>
    %lt3A_476 = arith.cmpi slt, %get3A_470, %lt3A_475 : vector<16xi32>
    %min3A_477 = arith.constant 495 : i32
    %min3A_478 = vector.broadcast %min3A_477 : i32 to vector<16xi32>
    %min3A_479 = arith.minsi %get3A_470, %min3A_478 : vector<16xi32>
    %sub3A_480 = arith.constant 496 : i32
    %sub3A_481 = vector.broadcast %sub3A_480 : i32 to vector<16xi32>
    %sub3A_482 = arith.subi %get3A_470, %sub3A_481 : vector<16xi32>
    %max3A_483 = arith.constant 0 : i32
    %max3A_484 = vector.broadcast %max3A_483 : i32 to vector<16xi32>
    %max3A_485 = arith.maxsi %sub3A_482, %max3A_484 : vector<16xi32>
    tpu.vector_store_idx %arg6[%broadcast_in_dim3A_7, %min3A_479, %add3A_473], %broadcast_in_dim3A_5 masked %lt3A_476 : memref<1x496x128xf32, #tpu.memory_space<vmem>>[vector<16xi32>, vector<16xi32>, vector<16xi32>], vector<16xf32>, vector<16xi1>
    %not3A_486 = arith.constant dense<true> : vector<16xi1>
    %not3A_487 = arith.xori %lt3A_476, %not3A_486 : vector<16xi1>
    tpu.vector_store_idx %arg7[%broadcast_in_dim3A_7, %max3A_485, %add3A_473], %broadcast_in_dim3A_5 masked %not3A_487 : memref<1x504x128xf32, #tpu.memory_space<vmem>>[vector<16xi32>, vector<16xi32>, vector<16xi32>], vector<16xf32>, vector<16xi1>
    %get3A_488 = arith.constant 112 : index
    %get3A_489 = tpu.vector_load %arg5[%get3A_488] {strides = array<i32>} : memref<128xi32, #tpu.memory_space<vmem>>, vector<16xi32>,
    %add3A_490 = arith.constant 112 : i32
    %add3A_491 = vector.broadcast %add3A_490 : i32 to vector<16xi32>
    %add3A_492 = arith.addi %iota3A, %add3A_491 : vector<16xi32>
    %lt3A_493 = arith.constant 496 : i32
    %lt3A_494 = vector.broadcast %lt3A_493 : i32 to vector<16xi32>
    %lt3A_495 = arith.cmpi slt, %get3A_489, %lt3A_494 : vector<16xi32>
    %min3A_496 = arith.constant 495 : i32
    %min3A_497 = vector.broadcast %min3A_496 : i32 to vector<16xi32>
    %min3A_498 = arith.minsi %get3A_489, %min3A_497 : vector<16xi32>
    %sub3A_499 = arith.constant 496 : i32
    %sub3A_500 = vector.broadcast %sub3A_499 : i32 to vector<16xi32>
    %sub3A_501 = arith.subi %get3A_489, %sub3A_500 : vector<16xi32>
    %max3A_502 = arith.constant 0 : i32
    %max3A_503 = vector.broadcast %max3A_502 : i32 to vector<16xi32>
    %max3A_504 = arith.maxsi %sub3A_501, %max3A_503 : vector<16xi32>
    tpu.vector_store_idx %arg6[%broadcast_in_dim3A_7, %min3A_498, %add3A_492], %broadcast_in_dim3A_5 masked %lt3A_495 : memref<1x496x128xf32, #tpu.memory_space<vmem>>[vector<16xi32>, vector<16xi32>, vector<16xi32>], vector<16xf32>, vector<16xi1>
    %not3A_505 = arith.constant dense<true> : vector<16xi1>
    %not3A_506 = arith.xori %lt3A_495, %not3A_505 : vector<16xi1>
    tpu.vector_store_idx %arg7[%broadcast_in_dim3A_7, %max3A_504, %add3A_492], %broadcast_in_dim3A_5 masked %not3A_506 : memref<1x504x128xf32, #tpu.memory_space<vmem>>[vector<16xi32>, vector<16xi32>, vector<16xi32>], vector<16xf32>, vector<16xi1>
    %dma_start3A_507 = arith.constant 25 : i32
    %dma_start3A_508 = arith.constant 0 : i32
    %dma_start3A_509 = tpu.memref_slice %arg3[%dma_start3A_507, %dma_start3A_508, %mul3A_2] : memref<26x1000x4096xf32, #tpu.memory_space<hbm>> -> memref<1x496x128xf32, #tpu.memory_space<hbm>>
    %dma_start3A_510 = arith.constant 25 : i32
    %dma_start3A_511 = arith.constant 0 : i32
    %dma_start3A_512 = tpu.memref_slice %arg3[%dma_start3A_510, %dma_start3A_511, %mul3A_2] : memref<26x1000x4096xf32, #tpu.memory_space<hbm>> -> memref<1x496x128xf32, #tpu.memory_space<hbm>>
    tpu.enqueue_dma source(%arg6 : memref<1x496x128xf32, #tpu.memory_space<vmem>>) target(%dma_start3A_512 : memref<1x496x128xf32, #tpu.memory_space<hbm>>) target_semaphore(%arg10 : memref<!tpu.dma_semaphore, #tpu.memory_space<semaphore_mem>>)
    %dma_start3A_513 = arith.constant 25 : i32
    %dma_start3A_514 = arith.constant 496 : i32
    %dma_start3A_515 = tpu.memref_slice %arg3[%dma_start3A_513, %dma_start3A_514, %mul3A_2] : memref<26x1000x4096xf32, #tpu.memory_space<hbm>> -> memref<1x504x128xf32, #tpu.memory_space<hbm>>
    %dma_start3A_516 = arith.constant 25 : i32
    %dma_start3A_517 = arith.constant 496 : i32
    %dma_start3A_518 = tpu.memref_slice %arg3[%dma_start3A_516, %dma_start3A_517, %mul3A_2] : memref<26x1000x4096xf32, #tpu.memory_space<hbm>> -> memref<1x504x128xf32, #tpu.memory_space<hbm>>
    tpu.enqueue_dma source(%arg7 : memref<1x504x128xf32, #tpu.memory_space<vmem>>) target(%dma_start3A_518 : memref<1x504x128xf32, #tpu.memory_space<hbm>>) target_semaphore(%arg11 : memref<!tpu.dma_semaphore, #tpu.memory_space<semaphore_mem>>)
    %dma_wait3A_519 = arith.constant 25 : i32
    %dma_wait3A_520 = arith.constant 0 : i32
    %dma_wait3A_521 = tpu.memref_slice %arg3[%dma_wait3A_519, %dma_wait3A_520, %mul3A_2] : memref<26x1000x4096xf32, #tpu.memory_space<hbm>> -> memref<1x496x128xf32, #tpu.memory_space<hbm>>
    %dma_wait3A_522 = arith.constant 25 : i32
    %dma_wait3A_523 = arith.constant 0 : i32
    %dma_wait3A_524 = tpu.memref_slice %arg3[%dma_wait3A_522, %dma_wait3A_523, %mul3A_2] : memref<26x1000x4096xf32, #tpu.memory_space<hbm>> -> memref<1x496x128xf32, #tpu.memory_space<hbm>>
    tpu.wait_dma2 semaphore(%arg10 : memref<!tpu.dma_semaphore, #tpu.memory_space<semaphore_mem>>) src(%arg6 : memref<1x496x128xf32, #tpu.memory_space<vmem>>) dst(%dma_wait3A_524 : memref<1x496x128xf32, #tpu.memory_space<hbm>>)
    %dma_wait3A_525 = arith.constant 25 : i32
    %dma_wait3A_526 = arith.constant 496 : i32
    %dma_wait3A_527 = tpu.memref_slice %arg3[%dma_wait3A_525, %dma_wait3A_526, %mul3A_2] : memref<26x1000x4096xf32, #tpu.memory_space<hbm>> -> memref<1x504x128xf32, #tpu.memory_space<hbm>>
    %dma_wait3A_528 = arith.constant 25 : i32
    %dma_wait3A_529 = arith.constant 496 : i32
    %dma_wait3A_530 = tpu.memref_slice %arg3[%dma_wait3A_528, %dma_wait3A_529, %mul3A_2] : memref<26x1000x4096xf32, #tpu.memory_space<hbm>> -> memref<1x504x128xf32, #tpu.memory_space<hbm>>
    tpu.wait_dma2 semaphore(%arg11 : memref<!tpu.dma_semaphore, #tpu.memory_space<semaphore_mem>>) src(%arg7 : memref<1x504x128xf32, #tpu.memory_space<vmem>>) dst(%dma_wait3A_530 : memref<1x504x128xf32, #tpu.memory_space<hbm>>)
    return
  }
}

</mosaic_0001>

<sc_bundles>
// kernel: kernel.3.cloned.1.call-start
scs
__scs_entry_jumppad:
0x0: {  	(pc) =	sbr.rel $0x88, $3  }
0x1: {  	(tag) =	ssettag $0x0;
	lr =	simm.s32 $0x1  }
0x2: {  	[smem:$0x3FA0] =	sst lr;
	_ =	strace $0xD0000000  }
0x3: {  	_ = 	snop  }
0x4: {  	_ = 	snop  }
0x5: {  	_ = 	snop  }
0x6: {  	_ = 	snop  }
0x7: {  	_ = 	snop  }
__scs_overlays_trampoline_lowered:
0x8: {  	[smem:$0x3FAF] =	sst s0  }
0x9: {  	[smem:$0x3FB0] =	sst s1  }
0xa: {  	[smem:$0x3FB1] =	sst s2  }
0xb: {  	[smem:$0x3FB2] =	sst s3  }
0xc: {  	[smem:$0x3FB3] =	sst s4  }
0xd: {  	[smem:$0x3FB4] =	sst s5  }
0xe: {  	[smem:$0x3FB5] =	sst s6  }
0xf: {  	[smem:$0x3FB6] =	sst s7  }
0x10: {  	[smem:$0x3FB7] =	sst s8  }
0x11: {  	[smem:$0x3FB8] =	sst s9;
	s0 =	simm.s32 @!p0 $0x0  }
0x12: {  	s1 =	sld [smem:$0x3F9E];
	s0 =	simm.s32 @p0 $0x1  }
0x13: {  	[smem:$0x3FB9] =	sst s0;
	s0 =	simm.s32 @!p1 $0x0  }
0x14: {  	s2 =	sld [smem:$0x3F9D];
	s0 =	simm.s32 @p1 $0x1  }
0x15: {  	[smem:$0x3FBA] =	sst s0;
	s0 =	simm.s32 @!p2 $0x0  }
0x16: {  	s3 =	sld [smem:$0x3FDB];
	s0 =	simm.s32 @p2 $0x1  }
0x17: {  	s4 =	simm.s32 $0x1BF5;
	[smem:$0x3FBC] =	sst s0  }
0x18: {  	s0 =	sld [smem:$0x3F9F];
	_ =	swait.ge [sflag:s4], $0x0  }
0x19: {  	s7 =	sld [smem:$0x3FA0]  }
0x1a: {  	s8 =	sadd.s32 $0xFFFFE003, lr  }
0x1b: {  	s9 =	sadd.s32 $0xFFFFFEF7, lr;
	s5 =	simm.s32 $0xFFFFFFFF;
	p2 =	slt.u32 s8, $0xFFFFF086  }
0x1c: {  	p1 =	slt.u32 s9, $0xF7A;
	s5 =	simm.s32 @!p2 $0x0  }
0x1d: {  	s5 =	simm.s32 @p1 $0x1;
	p0 =	seq.s32 s7, s2  }
0x1e: {  	s7 =	smul.u32 @!p0 $0xF7A, s2;
	p2 =	seq.s32 @!p0 s5, $0x0  }
0x1f: {  	s9 =	smul.u32 $0xF7A, s1;
	s8 =	simm.s32 @!p0 $0x1BF5;
	p2 =	por !p2, p0  }
0x20: {  	[sflag:s8] =	ssyncset.s32 @!p0 $0xFFFFF086;
	s6 =	sadd.s32 @!p0 s3, s7;
	s7 =	simm.s32 @!p0 $0x108  }
0x21: {  	s3 =	sadd.s32 s3, s9;
	s6 =	sadd.s32 @!p0 $0x88, s6;
	s7 =	simm.s32 @p2 $0x1082  }
0x22: {  	[simem:s7], [sflag:s8] =	dma.local @!p0 [hbm:s6], $0xF7A  }
0x23: {  	s9 =	sor.u32 $0xD0000000, s2;
	s6 =	simm.s32 $0x108;
	_ =	swait.ge @!p0 [sflag:s8], $0x0  }
0x24: {  	s3 =	sadd.s32 $0x88, s3;
	s6 =	simm.s32 @!p1 $0x1082;
	[sflag:s4] =	ssyncset.s32 $0xFFFFF086  }
0x25: {  	[simem:s6], [sflag:s4] =	dma.local [hbm:s3], $0xF7A  }
0x26: {  	[smem:$0x3FA0] =	sst s1;
	(tag) =	ssettag s2;
	_ =	strace s9  }
0x27: {  	s1 =	sld [smem:$0x3FB0]  }
0x28: {  	s2 =	sld [smem:$0x3FB1]  }
0x29: {  	s4 =	sld [smem:$0x3FB3]  }
0x2a: {  	p0 =	seq.s32 s5, $0x0;
	s5 =	sld [smem:$0x3FB4]  }
0x2b: {  	s6 =	sld [smem:$0x3FB5]  }
0x2c: {  	s7 =	sld [smem:$0x3FB6]  }
0x2d: {  	s3 =	simm.s32 $0x108;
	s8 =	sld [smem:$0x3FB7]  }
0x2e: {  	s3 =	simm.s32 @!p0 $0x1082;
	s9 =	sld [smem:$0x3FB8]  }
0x2f: {  	lr =	sadd.s32 s0, s3;
	s0 =	sld [smem:$0x3FAF]  }
0x30: {  	s3 =	sld [smem:$0x3FB2]  }
0x31: {  	[smem:$0x3FBB] =	sst s10  }
0x32: {  	s10 =	sld [smem:$0x3FB9];
	_ =	sdelay $0x3  }
0x33: {  	p0 =	seq.s32 s10, $0x1;
	s10 =	sld [smem:$0x3FBB];
	_ =	sdelay $0x3  }
0x34: {  	[smem:$0x3FBB] =	sst s10  }
0x35: {  	s10 =	sld [smem:$0x3FBA];
	_ =	sdelay $0x3  }
0x36: {  	p1 =	seq.s32 s10, $0x1;
	s10 =	sld [smem:$0x3FBB];
	_ =	sdelay $0x3  }
0x37: {  	[smem:$0x3FBB] =	sst s10  }
0x38: {  	s10 =	sld [smem:$0x3FBC]  }
0x39: {  	_ = 	snop;
	(pc) =	sbr.ind lr, $3  }
0x3a: {  	_ = 	snop  }
0x3b: {  	_ = 	snop  }
0x3c: {  	p2 =	seq.s32 s10, $0x1;
	s10 =	sld [smem:$0x3FBB]  }
0x3d: {  	_ =	shalt  }
0x3e: {  	_ =	shalt  }
0x3f: {  	_ =	shalt  }
0x40: {  	_ =	shalt  }
0x41: {  	_ =	shalt  }
0x42: {  	_ =	shalt  }
0x43: {  	_ =	shalt  }
0x44: {  	_ =	shalt  }
0x45: {  	_ =	shalt  }
0x46: {  	_ =	shalt  }
0x47: {  	_ =	shalt  }
0x48: {  	_ =	shalt  }
0x49: {  	_ =	shalt  }
0x4a: {  	_ =	shalt  }
0x4b: {  	_ =	shalt  }
0x4c: {  	_ =	shalt  }
0x4d: {  	_ =	shalt  }
0x4e: {  	_ =	shalt  }
0x4f: {  	_ =	shalt  }
0x50: {  	_ =	shalt  }
0x51: {  	_ =	shalt  }
0x52: {  	_ =	shalt  }
0x53: {  	_ =	shalt  }
0x54: {  	_ =	shalt  }
0x55: {  	_ =	shalt  }
0x56: {  	_ =	shalt  }
0x57: {  	_ =	shalt  }
0x58: {  	_ =	shalt  }
0x59: {  	_ =	shalt  }
0x5a: {  	_ =	shalt  }
0x5b: {  	_ =	shalt  }
0x5c: {  	_ =	shalt  }
0x5d: {  	_ =	shalt  }
0x5e: {  	_ =	shalt  }
0x5f: {  	_ =	shalt  }
0x60: {  	_ =	shalt  }
0x61: {  	_ =	shalt  }
0x62: {  	_ =	shalt  }
0x63: {  	_ =	shalt  }
0x64: {  	_ =	shalt  }
0x65: {  	_ =	shalt  }
0x66: {  	_ =	shalt  }
0x67: {  	_ =	shalt  }
0x68: {  	_ =	shalt  }
0x69: {  	_ =	shalt  }
0x6a: {  	_ =	shalt  }
0x6b: {  	_ =	shalt  }
0x6c: {  	_ =	shalt  }
0x6d: {  	_ =	shalt  }
0x6e: {  	_ =	shalt  }
0x6f: {  	_ =	shalt  }
0x70: {  	_ =	shalt  }
0x71: {  	_ =	shalt  }
0x72: {  	_ =	shalt  }
0x73: {  	_ =	shalt  }
0x74: {  	_ =	shalt  }
0x75: {  	_ =	shalt  }
0x76: {  	_ =	shalt  }
0x77: {  	_ =	shalt  }
0x78: {  	_ =	shalt  }
0x79: {  	_ =	shalt  }
0x7a: {  	_ =	shalt  }
0x7b: {  	_ =	shalt  }
0x7c: {  	_ =	shalt  }
0x7d: {  	_ =	shalt  }
0x7e: {  	_ =	shalt  }
0x7f: {  	_ =	shalt  }
0x80: {  	_ =	shalt  }
0x81: {  	_ =	shalt  }
0x82: {  	_ =	shalt  }
0x83: {  	_ =	shalt  }
0x84: {  	_ =	shalt  }
0x85: {  	_ =	shalt  }
0x86: {  	_ =	shalt  }
0x87: {  	_ =	shalt  }
.Lfunc_end0:
.L_simem_size_0:
called_computation_lowered:
.L_overlay_start_0:
0x88: {  	s2 =	sld [smem:$0x3FD9]  }
0x89: {  	s3 =	sld [smem:$0x3FFE];
	_ =	sdelay $0x1  }
0x8a: {  	s1 =	srdreg.scid  }
0x8b: {  	s0 =	sand.u32 $0x1, s1  }
0x8c: {  	s17 =	sshll.u32 s0, $0xA;
	s2 =	sadd.s32 s3, s2  }
0x8d: {  	s2 =	sadd.s32 s2, s17  }
0x8e: {  	[smem:$0x3FC7] =	sst s2  }
0x8f: {  	_ = 	snop  }
0x90: {  	s2 =	sld [smem:$0x3FD0];
	(tm) =	ssettm $0x1  }
0x91: {  	s18 =	sld [smem:$0x3FFB];
	_ =	sdelay $0x3  }
0x92: {  	_ =	strace s18  }
0x93: {  	s3 =	sld [smem:$0x3FFC];
	_ =	sdelay $0x3  }
0x94: {  	_ =	strace s3  }
0x95: {  	s3 =	sld [smem:$0x3FFD];
	_ =	sdelay $0x3  }
0x96: {  	_ =	strace s3  }
0x97: {  	_ =	strace $0x8FFFFFFF  }
0x98: {  	s19 =	sld [smem:$0x3FDB];
	_ =	sdelay $0x1  }
0x99: {  	s4 =	simm.s32 $_scs_section_size  }
0x9a: {  	s5 =	simm.s32 $_size__tile_overlayer_lowered;
	s6 =	simm.s32 $_tile_overlayer_lowered  }
0x9b: {  	s22 =	simm.s32 $0x1BFF;
	s21 =	sshll.u32 s6, $0x1;
	s3 =	sadd.s32 s4, s19  }
0x9c: {  	s7 =	simm.s32 $0x0;
	s20 =	sshll.u32 s5, $0x1;
	s5 =	sadd.s32 s21, s3  }
0x9d: {  	[timem:s7], [sflag:s22] =	dma.local [hbm:s5], s20  }
0x9e: {  	_ =	swait.ge [sflag:s22], s20  }
0x9f: {  	s4 =	ssub.s32 $0x0, s20;
	[sflag:s22] =	ssyncset.done $0x0  }
0xa0: {  	[sflag:s22] =	ssyncadd.s32 s4;
	_ =	sdelay $0x1  }
0xa1: {  	s23 =	simm.s32 $0x1B8B  }
0xa2: {  	_ =	swait.ge [sflag:s23], $0x1  }
0xa3: {  	[sflag:s23] =	ssyncset.done $0x0  }
0xa4: {  	s25 =	simm.s32 $0x1B8E;
	s24 =	sld [smem:$0x3FFE];
	[sflag:s23] =	ssyncadd.s32 $0xFFFFFFFF  }
0xa5: {  	s26 =	simm.s32 $execute0_lowered;
	[smem:$0x3FD2] =	sst s25  }
0xa6: {  	s5 =	sshll.u32 s26, $0x1;
	_ =	strace $0x80000046;
	[dreg:$0x1] =	wrdreg $0xFFFFFFFF  }
0xa7: {  	s28 =	simm.s32 $_size_execute0_lowered;
	s3 =	sadd.s32 s3, s5;
	[dreg:$0x0] =	wrdreg $0x0  }
0xa8: {  	s5 =	sshll.u32 s28, $0x1;
	[dreg:$0x2] =	wrdreg s3  }
0xa9: {  	[dreg:$0x3] =	wrdreg s5  }
0xaa: {  	[dreg:$0x4] =	wrdreg $0xC0  }
0xab: {  	_ =	task [dreg:s7], $0x5FFFF  }
0xac: {  	[dreg:$0x1] =	wrdreg $0xFFFFFFFF  }
0xad: {  	[dreg:$0x0] =	wrdreg $0x60  }
0xae: {  	[dreg:$0x2] =	wrdreg s24  }
0xaf: {  	[dreg:$0x3] =	wrdreg s2  }
0xb0: {  	[dreg:$0x4] =	wrdreg $0x9  }
0xb1: {  	_ =	task.clear_ibuf [dreg:s7], $0x5FFFF;
	_ =	strace $0x90000046  }
0xb2: {  	s29 =	simm.s32 $0x9;
	_ =	strace $0x80000048  }
0xb3: {  	_ =	swait.ge [sflag:s29], $0x1  }
0xb4: {  	[sflag:s29] =	ssyncadd.s32 $0xFFFFFFFF  }
0xb5: {  	_ =	strace $0x90000048  }
0xb6: {  	_ =	sfence  }
0xb7: {  	s30 =	sld [smem:$0x0];
	_ =	sdelay $0x2  }
0xb8: {  	s31 =	sshll.u32 s1, $0xD;
	s1 =	sshrl.u32 s1, $0x2  }
0xb9: {  	s3 =	sand.u32 $0x4000, s31;
	s1 =	sadd.s32 s1, s30  }
0xba: {  	s0 =	sor.u32 s3, s0;
	s1 =	sshll.u32 s1, $0x11  }
0xbb: {  	s0 =	sor.u32 s1, s0  }
0xbc: {  	s0 =	sadd.s32 $0x8F2B, s0  }
0xbd: {  	[sflag:s0] =	ssyncadd.remote.s32 $0x1  }
0xbe: {  	_ =	sfence.sel $0xFFFF  }
0xbf: {  	[dreg:$0x0] =	wrdreg $0xFFFFFFFF;
	(pc) =	sbr.abs _section_cstart, $3  }
0xc0: {  	[dreg:$0x1] =	wrdreg $0xFFFFFFFF  }
0xc1: {  	_ =	task.clear_ibuf [dreg:s7], $0x2FFFF;
	_ =	strace $0x9FFFFFFF  }
0xc2: {  	(tm) =	ssettm $0x7FFFFFFF  }
0xc3: {  	_ =	shalt  }
tec
execute0_lowered:
.L_overlay_start_1:
0x0: {  	(tag) =	ssettag $0x1  }
0x1: {  	s0 =	rddreg [dreg:$0x0]  }
0x2: {  	s2 =	rddreg [dreg:$0x1]  }
0x3: {  	s4 =	srdreg.scid;
	s3 =	simm.s32 $0x0;
	s1 =	stileid.u32  }
0x4: {  	s18 =	simm.s32 $0x1;
	s19 =	simm.s32 $0x100;
	s20 =	simm.s32 $0xF900  }
0x5: {  	s21 =	simm.s32 $0x400;
	s22 =	simm.s32 $0x8000;
	s23 =	simm.s32 $0x80  }
0x6: {  	s24 =	simm.s32 $0x3;
	s28 =	simm.s32 $0x0;
	s10 =	sand.u32 $0x1, s4  }
0x7: {  	[smem:$0x7FF] =	sst s3;
	s25 =	sshll.u32 s1, $0x8;
	s4 =	sadd.s32 $0x400, s0  }
0x8: {  	s11 =	sshll.u32 s1, $0xB;
	s5 =	sshll.u32 s10, $0x7;
	_ =	strace $0x80000047  }
0x9: {  	s26 =	ssub.s32 $0x2, s10;
	s13 =	sshll.u32 s10, $0xA;
	s12 =	sor.u32 s5, s25  }
0xa: {  	s7 =	sshrl.u32 s26, $0x1;
	s16 =	sor.u32 s13, s11;
	s25 =	simm.s32 $0x4  }
0xb: {  	s5 =	sshrl.u32 s12, $0x3;
	s6 =	sadd.s32 s2, s12;
	s0 =	ssub.s32 s26, s7  }
0xc: {  	s14 =	sor.u32 $0x3000, s12;
	s13 =	sor.u32 $0x3E8000, s16;
	s30 =	sor.u32 $0x5D8000, s16  }
0xd: {  	s17 =	sor.u32 $0x9C0000, s16;
	s15 =	sor.u32 $0x2000, s12;
	s16 =	sor.u32 $0x7D0000, s16  }
0xe: {  	s26 =	simm.s32 $0x2;
	s5 =	sadd.s32 s4, s5;
	s7 =	sadd.s32 $0x3E000, s6  }
0xf: {  	v0 =	vlaneseq.u32;
	s9 =	sadd.s32 $0xC35000, s6;
	s10 =	sadd.s32 $0xC73000, s6;
	s11 =	smax.u32 s0, $0x1  }
0x10: {  	v1 =	vimm.f32 $0.0e+00;
	v2 =	vimm.f32 $1.000000000e+00;
	v3 =	vor.u32 $0x10, v0;
	s29 =	sshrl.u32 s14, $0x3;
	s13 =	sshrl.u32 s13, $0x3;
	s14 =	sshrl.u32 s30, $0x3  }
0x11: {  	v4 =	vor.u32 $0x20, v0;
	v5 =	vor.u32 $0x30, v0;
	v6 =	vor.u32 $0x40, v0;
	s31 =	sshrl.u32 s17, $0x3;
	s8 =	sadd.s32 $0x200, s5;
	s0 =	sadd.s32 s29, s4  }
0x12: {  	v7 =	vor.u32 $0x50, v0;
	v8 =	vor.u32 $0x60, v0;
	v9 =	vor.u32 $0x70, v0;
	s13 =	sadd.s32 s13, s2;
	s14 =	sadd.s32 s14, s2;
	s17 =	sadd.s32 s31, s2  }
.LBB2_1:
0x13: {  	[tilespmem:s3], [sflag:$0x1] =	stream.linear.gather [hbm4b:s5+s3], $0x80, $0x38;
	[tilespmem:$0x1F500] =	vst v63  }
0x14: {  	s29 =	simm.s32 $0xF940  }
0x15: {  	[tilespmem:s29+$0xFFFFFFC0] =	vst v1  }
0x16: {  	[tilespmem:s29+$0xFFFFFFD0] =	vst v1  }
0x17: {  	[tilespmem:s29+$0xFFFFFFE0] =	vst v1  }
0x18: {  	[tilespmem:s29+$0xFFFFFFF0] =	vst v1  }
0x19: {  	[tilespmem:s29+$0x0] =	vst v1  }
0x1a: {  	[tilespmem:s29+$0x10] =	vst v1  }
0x1b: {  	p0 =	por $0x0, $0x0;
	[tilespmem:s29+$0x20] =	vst v1  }
0x1c: {  	s12 =	simm.s32 $0x140;
	[tilespmem:s29+$0x30] =	vst v1;
	v10 =	vimm.f32 @!p0 $0.0e+00  }
0x1d: {  	[tilespmem:s12+$0x30] =	vst @!p0 v10  }
0x1e: {  	[tilespmem:s12+$0xFFFFFFC0] =	vst @!p0 v10  }
0x1f: {  	[tilespmem:s12+$0xFFFFFFD0] =	vst @!p0 v10  }
0x20: {  	[tilespmem:s12+$0xFFFFFFE0] =	vst @!p0 v10  }
0x21: {  	[tilespmem:s12+$0xFFFFFFF0] =	vst @!p0 v10  }
0x22: {  	[tilespmem:s12+$0x0] =	vst @!p0 v10  }
0x23: {  	[tilespmem:s12+$0x10] =	vst @!p0 v10  }
0x24: {  	s30 =	simm.s32 $0xF9C0;
	s29 =	simm.s32 $0x1;
	[tilespmem:s12+$0x20] =	vst @!p0 v10  }
.LBB2_2:
0x25: {  	[tilespmem:s30+$0xFFFFFFC0] =	vst v1  }
0x26: {  	[tilespmem:s30+$0xFFFFFFD0] =	vst v1  }
0x27: {  	[tilespmem:s30+$0xFFFFFFE0] =	vst v1  }
0x28: {  	[tilespmem:s30+$0xFFFFFFF0] =	vst v1  }
0x29: {  	[tilespmem:s30+$0x0] =	vst v1  }
0x2a: {  	[tilespmem:s30+$0x10] =	vst v1  }
0x2b: {  	p0 =	sgt.u32 s29, $0x1EF;
	s29 =	sadd.s32 $0x1, s29;
	[tilespmem:s30+$0x20] =	vst v1  }
0x2c: {  	s12 =	sadd.s32 $0x80, s12;
	v10 =	vimm.f32 @!p0 $0.0e+00;
	p1 =	sne.s32 s29, $0x1F8;
	[tilespmem:s30+$0x30] =	vst v1  }
0x2d: {  	[tilespmem:s12+$0x30] =	vst @!p0 v10  }
0x2e: {  	[tilespmem:s12+$0xFFFFFFC0] =	vst @!p0 v10  }
0x2f: {  	[tilespmem:s12+$0xFFFFFFD0] =	vst @!p0 v10  }
.Ltmp0:
0x30: {  	[tilespmem:s12+$0xFFFFFFE0] =	vst @!p0 v10;
	(pc) =	sbr.rel @p1 .LBB2_2-.Ltmp0, $4  }
0x31: {  	[tilespmem:s12+$0xFFFFFFF0] =	vst @!p0 v10  }
0x32: {  	[tilespmem:s12+$0x0] =	vst @!p0 v10  }
0x33: {  	[tilespmem:s12+$0x10] =	vst @!p0 v10  }
0x34: {  	s30 =	sadd.s32 $0x80, s30;
	[tilespmem:s12+$0x20] =	vst @!p0 v10  }
0x35: {  	_ =	swait.ge [sflag:s18], $0x80  }
0x36: {  	[sflag:s18] =	ssyncset.done $0x0  }
0x37: {  	[sflag:s18] =	ssyncadd.s32 $0xFFFFFF80  }
0x38: {  	v10 =	vld [tilespmem:$0x0];
	_ =	sdelay $0x4  }
0x39: {  	vm0 =	vlt.s32 v10, $0x1EF;
	v11 =	vadd.s32 $0xFFFFFE10, v10  }
0x3a: {  	v12 =	vnsel vm0, $0x1EF, v10;
	vm10 =	vgt.s32 v11, $0x0  }
0x3b: {  	vm1 =	vlt.s32 v10, $0x1F0;
	v11 =	vnsel vm10, $0x0, v11;
	v12 =	vshll.u32 v12, $0x7  }
0x3c: {  	vm11 =	vge.s32 v10, $0x1F0;
	v10 =	vor.u32 v0, v12;
	v11 =	vshll.u32 v11, $0x7  }
0x3d: {  	v11 =	vor.u32 v0, v11;
	_ =	sdelay $0x3  }
0x3e: {  	[tilespmem:v10+s19+$0x0] =	vst.idx.msk vm1, v2  }
0x3f: {  	[tilespmem:v11+s20+$0x0] =	vst.idx.msk vm11, v2  }
0x40: {  	v10 =	vld [tilespmem:$0x10];
	_ =	sdelay $0x4  }
0x41: {  	vm12 =	vlt.s32 v10, $0x1EF;
	v11 =	vadd.s32 $0xFFFFFE10, v10  }
0x42: {  	v57 =	vnsel vm12, $0x1EF, v10;
	vm13 =	vgt.s32 v11, $0x0  }
0x43: {  	vm14 =	vlt.s32 v10, $0x1F0;
	v11 =	vnsel vm13, $0x0, v11;
	v12 =	vshll.u32 v57, $0x7  }
0x44: {  	vm15 =	vge.s32 v10, $0x1F0;
	v10 =	vor.u32 v3, v12;
	v11 =	vshll.u32 v11, $0x7  }
0x45: {  	v11 =	vor.u32 v3, v11;
	_ =	sdelay $0x3  }
0x46: {  	[tilespmem:v10+s19+$0x0] =	vst.idx.msk vm14, v2  }
0x47: {  	[tilespmem:v11+s20+$0x0] =	vst.idx.msk vm15, v2  }
0x48: {  	v10 =	vld [tilespmem:$0x20];
	_ =	sdelay $0x4  }
0x49: {  	vm4 =	vlt.s32 v10, $0x1EF;
	v11 =	vadd.s32 $0xFFFFFE10, v10  }
0x4a: {  	v58 =	vnsel vm4, $0x1EF, v10;
	vm5 =	vgt.s32 v11, $0x0  }
0x4b: {  	vm6 =	vlt.s32 v10, $0x1F0;
	v11 =	vnsel vm5, $0x0, v11;
	v12 =	vshll.u32 v58, $0x7  }
0x4c: {  	vm7 =	vge.s32 v10, $0x1F0;
	v10 =	vor.u32 v4, v12;
	v11 =	vshll.u32 v11, $0x7  }
0x4d: {  	v11 =	vor.u32 v4, v11;
	_ =	sdelay $0x3  }
0x4e: {  	[tilespmem:v10+s19+$0x0] =	vst.idx.msk vm6, v2  }
0x4f: {  	[tilespmem:v11+s20+$0x0] =	vst.idx.msk vm7, v2  }
0x50: {  	v10 =	vld [tilespmem:$0x30];
	_ =	sdelay $0x4  }
0x51: {  	vm8 =	vlt.s32 v10, $0x1EF;
	v11 =	vadd.s32 $0xFFFFFE10, v10  }
0x52: {  	v59 =	vnsel vm8, $0x1EF, v10;
	vm9 =	vgt.s32 v11, $0x0  }
0x53: {  	vm10 =	vlt.s32 v10, $0x1F0;
	v11 =	vnsel vm9, $0x0, v11;
	v12 =	vshll.u32 v59, $0x7  }
0x54: {  	vm11 =	vge.s32 v10, $0x1F0;
	v10 =	vor.u32 v5, v12;
	v11 =	vshll.u32 v11, $0x7  }
0x55: {  	v11 =	vor.u32 v5, v11;
	_ =	sdelay $0x3  }
0x56: {  	[tilespmem:v10+s19+$0x0] =	vst.idx.msk vm10, v2  }
0x57: {  	[tilespmem:v11+s20+$0x0] =	vst.idx.msk vm11, v2  }
0x58: {  	v10 =	vld [tilespmem:$0x40];
	_ =	sdelay $0x4  }
0x59: {  	vm12 =	vlt.s32 v10, $0x1EF;
	v11 =	vadd.s32 $0xFFFFFE10, v10  }
0x5a: {  	v60 =	vnsel vm12, $0x1EF, v10;
	vm13 =	vgt.s32 v11, $0x0  }
0x5b: {  	vm14 =	vlt.s32 v10, $0x1F0;
	v11 =	vnsel vm13, $0x0, v11;
	v12 =	vshll.u32 v60, $0x7  }
0x5c: {  	vm15 =	vge.s32 v10, $0x1F0;
	v10 =	vor.u32 v6, v12;
	v11 =	vshll.u32 v11, $0x7  }
0x5d: {  	v11 =	vor.u32 v6, v11;
	_ =	sdelay $0x3  }
0x5e: {  	[tilespmem:v10+s19+$0x0] =	vst.idx.msk vm14, v2  }
0x5f: {  	[tilespmem:v11+s20+$0x0] =	vst.idx.msk vm15, v2  }
0x60: {  	v10 =	vld [tilespmem:$0x50];
	_ =	sdelay $0x4  }
0x61: {  	vm4 =	vlt.s32 v10, $0x1EF;
	v11 =	vadd.s32 $0xFFFFFE10, v10  }
0x62: {  	v61 =	vnsel vm4, $0x1EF, v10;
	vm5 =	vgt.s32 v11, $0x0  }
0x63: {  	vm6 =	vlt.s32 v10, $0x1F0;
	v11 =	vnsel vm5, $0x0, v11;
	v12 =	vshll.u32 v61, $0x7  }
0x64: {  	vm7 =	vge.s32 v10, $0x1F0;
	v10 =	vor.u32 v7, v12;
	v11 =	vshll.u32 v11, $0x7  }
0x65: {  	v11 =	vor.u32 v7, v11;
	_ =	sdelay $0x3  }
0x66: {  	[tilespmem:v10+s19+$0x0] =	vst.idx.msk vm6, v2  }
0x67: {  	[tilespmem:v11+s20+$0x0] =	vst.idx.msk vm7, v2  }
0x68: {  	v10 =	vld [tilespmem:$0x60];
	_ =	sdelay $0x4  }
0x69: {  	vm8 =	vlt.s32 v10, $0x1EF;
	v11 =	vadd.s32 $0xFFFFFE10, v10  }
0x6a: {  	v62 =	vnsel vm8, $0x1EF, v10;
	vm9 =	vgt.s32 v11, $0x0  }
0x6b: {  	vm10 =	vlt.s32 v10, $0x1F0;
	v11 =	vnsel vm9, $0x0, v11;
	v12 =	vshll.u32 v62, $0x7  }
0x6c: {  	vm11 =	vge.s32 v10, $0x1F0;
	v10 =	vor.u32 v8, v12;
	v11 =	vshll.u32 v11, $0x7  }
0x6d: {  	v11 =	vor.u32 v8, v11;
	_ =	sdelay $0x3  }
0x6e: {  	[tilespmem:v10+s19+$0x0] =	vst.idx.msk vm10, v2  }
0x6f: {  	[tilespmem:v11+s20+$0x0] =	vst.idx.msk vm11, v2  }
0x70: {  	v10 =	vld [tilespmem:$0x70];
	_ =	sdelay $0x4  }
0x71: {  	vm12 =	vlt.s32 v10, $0x1EF;
	v11 =	vadd.s32 $0xFFFFFE10, v10  }
0x72: {  	v63 =	vnsel vm12, $0x1EF, v10;
	vm13 =	vgt.s32 v11, $0x0  }
0x73: {  	vm14 =	vlt.s32 v10, $0x1F0;
	v11 =	vnsel vm13, $0x0, v11;
	v12 =	vshll.u32 v63, $0x7  }
0x74: {  	vm15 =	vge.s32 v10, $0x1F0;
	v10 =	vor.u32 v9, v12;
	v11 =	vshll.u32 v11, $0x7  }
0x75: {  	v11 =	vor.u32 v9, v11;
	_ =	sdelay $0x3  }
0x76: {  	[tilespmem:v10+s19+$0x0] =	vst.idx.msk vm14, v2  }
0x77: {  	[tilespmem:v11+s20+$0x0] =	vst.idx.msk vm15, v2  }
0x78: {  	[hbm4b:s6+s21] =	stream.strided.scatter [tilespmem:s19], [sflag:$0x3], $0xF800, s22, s21, $0x38;
	[tilespmem:$0x1F500] =	vst v63  }
0x79: {  	s29 =	simm.s32 $0x0  }
0x7a: {  	[hbm4b:s7+s21] =	stream.strided.scatter [tilespmem:s20], [sflag:$0x4], $0xFC00, s22, s21, $0x38;
	[tilespmem:$0x1F500] =	vst v63  }
0x7b: {  	s30 =	smov.u32 s16;
	s31 =	smov.u32 s15;
	s12 =	smov.u32 s0  }
0x7c: {  	[tilespmem:s23], [sflag:$0x2] =	stream.linear.gather [hbm4b:s8+s29], $0x80, $0x38;
	[tilespmem:$0x1F500] =	vst v63  }
.LBB2_4:
0x7d: {  	_ =	swait.ge [sflag:s24], $0xF800  }
0x7e: {  	[sflag:s24] =	ssyncset.done $0x0  }
0x7f: {  	[sflag:s24] =	ssyncadd.s32 $0xFFFF0800  }
0x80: {  	_ =	swait.ge [sflag:s25], $0xFC00  }
0x81: {  	[sflag:s25] =	ssyncset.done $0x0  }
0x82: {  	[sflag:s25] =	ssyncadd.s32 $0xFFFF0400  }
0x83: {  	v10 =	vld [tilespmem:$0x0];
	_ =	sdelay $0x4  }
0x84: {  	vm0 =	vlt.s32 v10, $0x1EF;
	v11 =	vadd.s32 $0xFFFFFE10, v10  }
0x85: {  	v12 =	vnsel vm0, $0x1EF, v10;
	vm10 =	vgt.s32 v11, $0x0  }
0x86: {  	vm1 =	vlt.s32 v10, $0x1F0;
	v11 =	vnsel vm10, $0x0, v11;
	v12 =	vshll.u32 v12, $0x7  }
0x87: {  	vm11 =	vge.s32 v10, $0x1F0;
	v10 =	vor.u32 v0, v12;
	v11 =	vshll.u32 v11, $0x7  }
0x88: {  	v11 =	vor.u32 v0, v11;
	_ =	sdelay $0x3  }
0x89: {  	[tilespmem:v10+s19+$0x0] =	vst.idx.msk vm1, v1  }
0x8a: {  	[tilespmem:v11+s20+$0x0] =	vst.idx.msk vm11, v1  }
0x8b: {  	v10 =	vld [tilespmem:$0x10];
	_ =	sdelay $0x4  }
0x8c: {  	vm12 =	vlt.s32 v10, $0x1EF;
	v11 =	vadd.s32 $0xFFFFFE10, v10  }
0x8d: {  	v33 =	vnsel vm12, $0x1EF, v10;
	vm13 =	vgt.s32 v11, $0x0  }
0x8e: {  	vm14 =	vlt.s32 v10, $0x1F0;
	v11 =	vnsel vm13, $0x0, v11;
	v12 =	vshll.u32 v33, $0x7  }
0x8f: {  	vm15 =	vge.s32 v10, $0x1F0;
	v10 =	vor.u32 v3, v12;
	v11 =	vshll.u32 v11, $0x7  }
0x90: {  	v11 =	vor.u32 v3, v11;
	_ =	sdelay $0x3  }
0x91: {  	[tilespmem:v10+s19+$0x0] =	vst.idx.msk vm14, v1  }
0x92: {  	[tilespmem:v11+s20+$0x0] =	vst.idx.msk vm15, v1  }
0x93: {  	v10 =	vld [tilespmem:$0x20];
	_ =	sdelay $0x4  }
0x94: {  	vm4 =	vlt.s32 v10, $0x1EF;
	v11 =	vadd.s32 $0xFFFFFE10, v10  }
0x95: {  	v34 =	vnsel vm4, $0x1EF, v10;
	vm5 =	vgt.s32 v11, $0x0  }
0x96: {  	vm6 =	vlt.s32 v10, $0x1F0;
	v11 =	vnsel vm5, $0x0, v11;
	v12 =	vshll.u32 v34, $0x7  }
0x97: {  	vm7 =	vge.s32 v10, $0x1F0;
	v10 =	vor.u32 v4, v12;
	v11 =	vshll.u32 v11, $0x7  }
0x98: {  	v11 =	vor.u32 v4, v11;
	_ =	sdelay $0x3  }
0x99: {  	[tilespmem:v10+s19+$0x0] =	vst.idx.msk vm6, v1  }
0x9a: {  	[tilespmem:v11+s20+$0x0] =	vst.idx.msk vm7, v1  }
0x9b: {  	v10 =	vld [tilespmem:$0x30];
	_ =	sdelay $0x4  }
0x9c: {  	vm8 =	vlt.s32 v10, $0x1EF;
	v11 =	vadd.s32 $0xFFFFFE10, v10  }
0x9d: {  	v35 =	vnsel vm8, $0x1EF, v10;
	vm9 =	vgt.s32 v11, $0x0  }
0x9e: {  	vm10 =	vlt.s32 v10, $0x1F0;
	v11 =	vnsel vm9, $0x0, v11;
	v12 =	vshll.u32 v35, $0x7  }
0x9f: {  	vm11 =	vge.s32 v10, $0x1F0;
	v10 =	vor.u32 v5, v12;
	v11 =	vshll.u32 v11, $0x7  }
0xa0: {  	v11 =	vor.u32 v5, v11;
	_ =	sdelay $0x3  }
0xa1: {  	[tilespmem:v10+s19+$0x0] =	vst.idx.msk vm10, v1  }
0xa2: {  	[tilespmem:v11+s20+$0x0] =	vst.idx.msk vm11, v1  }
0xa3: {  	v10 =	vld [tilespmem:$0x40];
	_ =	sdelay $0x4  }
0xa4: {  	vm12 =	vlt.s32 v10, $0x1EF;
	v11 =	vadd.s32 $0xFFFFFE10, v10  }
0xa5: {  	v36 =	vnsel vm12, $0x1EF, v10;
	vm13 =	vgt.s32 v11, $0x0  }
0xa6: {  	vm14 =	vlt.s32 v10, $0x1F0;
	v11 =	vnsel vm13, $0x0, v11;
	v12 =	vshll.u32 v36, $0x7  }
0xa7: {  	vm15 =	vge.s32 v10, $0x1F0;
	v10 =	vor.u32 v6, v12;
	v11 =	vshll.u32 v11, $0x7  }
0xa8: {  	v11 =	vor.u32 v6, v11;
	_ =	sdelay $0x3  }
0xa9: {  	[tilespmem:v10+s19+$0x0] =	vst.idx.msk vm14, v1  }
0xaa: {  	[tilespmem:v11+s20+$0x0] =	vst.idx.msk vm15, v1  }
0xab: {  	v10 =	vld [tilespmem:$0x50];
	_ =	sdelay $0x4  }
0xac: {  	vm4 =	vlt.s32 v10, $0x1EF;
	v11 =	vadd.s32 $0xFFFFFE10, v10  }
0xad: {  	v37 =	vnsel vm4, $0x1EF, v10;
	vm5 =	vgt.s32 v11, $0x0  }
0xae: {  	vm6 =	vlt.s32 v10, $0x1F0;
	v11 =	vnsel vm5, $0x0, v11;
	v12 =	vshll.u32 v37, $0x7  }
0xaf: {  	vm7 =	vge.s32 v10, $0x1F0;
	v10 =	vor.u32 v7, v12;
	v11 =	vshll.u32 v11, $0x7  }
0xb0: {  	v11 =	vor.u32 v7, v11;
	_ =	sdelay $0x3  }
0xb1: {  	[tilespmem:v10+s19+$0x0] =	vst.idx.msk vm6, v1  }
0xb2: {  	[tilespmem:v11+s20+$0x0] =	vst.idx.msk vm7, v1  }
0xb3: {  	v10 =	vld [tilespmem:$0x60];
	_ =	sdelay $0x4  }
0xb4: {  	vm8 =	vlt.s32 v10, $0x1EF;
	v11 =	vadd.s32 $0xFFFFFE10, v10  }
0xb5: {  	v38 =	vnsel vm8, $0x1EF, v10;
	vm9 =	vgt.s32 v11, $0x0  }
0xb6: {  	vm10 =	vlt.s32 v10, $0x1F0;
	v11 =	vnsel vm9, $0x0, v11;
	v12 =	vshll.u32 v38, $0x7  }
0xb7: {  	vm11 =	vge.s32 v10, $0x1F0;
	v10 =	vor.u32 v8, v12;
	v11 =	vshll.u32 v11, $0x7  }
0xb8: {  	v11 =	vor.u32 v8, v11;
	_ =	sdelay $0x3  }
0xb9: {  	[tilespmem:v10+s19+$0x0] =	vst.idx.msk vm10, v1  }
0xba: {  	[tilespmem:v11+s20+$0x0] =	vst.idx.msk vm11, v1  }
0xbb: {  	v10 =	vld [tilespmem:$0x70];
	_ =	sdelay $0x4  }
0xbc: {  	vm12 =	vlt.s32 v10, $0x1EF;
	v11 =	vadd.s32 $0xFFFFFE10, v10  }
0xbd: {  	v39 =	vnsel vm12, $0x1EF, v10;
	vm13 =	vgt.s32 v11, $0x0  }
0xbe: {  	vm14 =	vlt.s32 v10, $0x1F0;
	v11 =	vnsel vm13, $0x0, v11;
	v12 =	vshll.u32 v39, $0x7  }
0xbf: {  	vm15 =	vge.s32 v10, $0x1F0;
	v10 =	vor.u32 v9, v12;
	v11 =	vshll.u32 v11, $0x7  }
0xc0: {  	v11 =	vor.u32 v9, v11;
	_ =	sdelay $0x3  }
0xc1: {  	s1 =	sshrl.u32 s31, $0x3;
	[tilespmem:v10+s19+$0x0] =	vst.idx.msk vm14, v1  }
0xc2: {  	s1 =	sadd.s32 s4, s1;
	[tilespmem:v11+s20+$0x0] =	vst.idx.msk vm15, v1  }
0xc3: {  	[tilespmem:s3], [sflag:$0x1] =	stream.linear.gather [hbm4b:s1+s3], $0x80, $0x38;
	[tilespmem:$0x1F500] =	vst v63  }
0xc4: {  	_ =	swait.ge [sflag:s26], $0x80  }
0xc5: {  	[sflag:s26] =	ssyncset.done $0x0  }
0xc6: {  	[sflag:s26] =	ssyncadd.s32 $0xFFFFFF80  }
0xc7: {  	v10 =	vld [tilespmem:$0x80];
	_ =	sdelay $0x4  }
0xc8: {  	vm4 =	vlt.s32 v10, $0x1EF;
	v11 =	vadd.s32 $0xFFFFFE10, v10  }
0xc9: {  	v40 =	vnsel vm4, $0x1EF, v10;
	vm5 =	vgt.s32 v11, $0x0  }
0xca: {  	vm6 =	vlt.s32 v10, $0x1F0;
	v11 =	vnsel vm5, $0x0, v11;
	v12 =	vshll.u32 v40, $0x7  }
0xcb: {  	vm7 =	vge.s32 v10, $0x1F0;
	v10 =	vor.u32 v0, v12;
	v11 =	vshll.u32 v11, $0x7  }
0xcc: {  	v11 =	vor.u32 v0, v11;
	_ =	sdelay $0x3  }
0xcd: {  	[tilespmem:v10+s19+$0x0] =	vst.idx.msk vm6, v2  }
0xce: {  	[tilespmem:v11+s20+$0x0] =	vst.idx.msk vm7, v2  }
0xcf: {  	v10 =	vld [tilespmem:$0x90];
	_ =	sdelay $0x4  }
0xd0: {  	vm8 =	vlt.s32 v10, $0x1EF;
	v11 =	vadd.s32 $0xFFFFFE10, v10  }
0xd1: {  	v41 =	vnsel vm8, $0x1EF, v10;
	vm9 =	vgt.s32 v11, $0x0  }
0xd2: {  	vm10 =	vlt.s32 v10, $0x1F0;
	v11 =	vnsel vm9, $0x0, v11;
	v12 =	vshll.u32 v41, $0x7  }
0xd3: {  	vm11 =	vge.s32 v10, $0x1F0;
	v10 =	vor.u32 v3, v12;
	v11 =	vshll.u32 v11, $0x7  }
0xd4: {  	v11 =	vor.u32 v3, v11;
	_ =	sdelay $0x3  }
0xd5: {  	[tilespmem:v10+s19+$0x0] =	vst.idx.msk vm10, v2  }
0xd6: {  	[tilespmem:v11+s20+$0x0] =	vst.idx.msk vm11, v2  }
0xd7: {  	v10 =	vld [tilespmem:$0xA0];
	_ =	sdelay $0x4  }
0xd8: {  	vm12 =	vlt.s32 v10, $0x1EF;
	v11 =	vadd.s32 $0xFFFFFE10, v10  }
0xd9: {  	v42 =	vnsel vm12, $0x1EF, v10;
	vm13 =	vgt.s32 v11, $0x0  }
0xda: {  	vm14 =	vlt.s32 v10, $0x1F0;
	v11 =	vnsel vm13, $0x0, v11;
	v12 =	vshll.u32 v42, $0x7  }
0xdb: {  	vm15 =	vge.s32 v10, $0x1F0;
	v10 =	vor.u32 v4, v12;
	v11 =	vshll.u32 v11, $0x7  }
0xdc: {  	v11 =	vor.u32 v4, v11;
	_ =	sdelay $0x3  }
0xdd: {  	[tilespmem:v10+s19+$0x0] =	vst.idx.msk vm14, v2  }
0xde: {  	[tilespmem:v11+s20+$0x0] =	vst.idx.msk vm15, v2  }
0xdf: {  	v10 =	vld [tilespmem:$0xB0];
	_ =	sdelay $0x4  }
0xe0: {  	vm4 =	vlt.s32 v10, $0x1EF;
	v11 =	vadd.s32 $0xFFFFFE10, v10  }
0xe1: {  	v43 =	vnsel vm4, $0x1EF, v10;
	vm5 =	vgt.s32 v11, $0x0  }
0xe2: {  	vm6 =	vlt.s32 v10, $0x1F0;
	v11 =	vnsel vm5, $0x0, v11;
	v12 =	vshll.u32 v43, $0x7  }
0xe3: {  	vm7 =	vge.s32 v10, $0x1F0;
	v10 =	vor.u32 v5, v12;
	v11 =	vshll.u32 v11, $0x7  }
0xe4: {  	v11 =	vor.u32 v5, v11;
	_ =	sdelay $0x3  }
0xe5: {  	[tilespmem:v10+s19+$0x0] =	vst.idx.msk vm6, v2  }
0xe6: {  	[tilespmem:v11+s20+$0x0] =	vst.idx.msk vm7, v2  }
0xe7: {  	v10 =	vld [tilespmem:$0xC0];
	_ =	sdelay $0x4  }
0xe8: {  	vm8 =	vlt.s32 v10, $0x1EF;
	v11 =	vadd.s32 $0xFFFFFE10, v10  }
0xe9: {  	v44 =	vnsel vm8, $0x1EF, v10;
	vm9 =	vgt.s32 v11, $0x0  }
0xea: {  	vm10 =	vlt.s32 v10, $0x1F0;
	v11 =	vnsel vm9, $0x0, v11;
	v12 =	vshll.u32 v44, $0x7  }
0xeb: {  	vm11 =	vge.s32 v10, $0x1F0;
	v10 =	vor.u32 v6, v12;
	v11 =	vshll.u32 v11, $0x7  }
0xec: {  	v11 =	vor.u32 v6, v11;
	_ =	sdelay $0x3  }
0xed: {  	[tilespmem:v10+s19+$0x0] =	vst.idx.msk vm10, v2  }
0xee: {  	[tilespmem:v11+s20+$0x0] =	vst.idx.msk vm11, v2  }
0xef: {  	v10 =	vld [tilespmem:$0xD0];
	_ =	sdelay $0x4  }
0xf0: {  	vm12 =	vlt.s32 v10, $0x1EF;
	v11 =	vadd.s32 $0xFFFFFE10, v10  }
0xf1: {  	v45 =	vnsel vm12, $0x1EF, v10;
	vm13 =	vgt.s32 v11, $0x0  }
0xf2: {  	vm14 =	vlt.s32 v10, $0x1F0;
	v11 =	vnsel vm13, $0x0, v11;
	v12 =	vshll.u32 v45, $0x7  }
0xf3: {  	vm15 =	vge.s32 v10, $0x1F0;
	v10 =	vor.u32 v7, v12;
	v11 =	vshll.u32 v11, $0x7  }
0xf4: {  	v11 =	vor.u32 v7, v11;
	_ =	sdelay $0x3  }
0xf5: {  	[tilespmem:v10+s19+$0x0] =	vst.idx.msk vm14, v2  }
0xf6: {  	[tilespmem:v11+s20+$0x0] =	vst.idx.msk vm15, v2  }
0xf7: {  	v10 =	vld [tilespmem:$0xE0];
	_ =	sdelay $0x4  }
0xf8: {  	vm4 =	vlt.s32 v10, $0x1EF;
	v11 =	vadd.s32 $0xFFFFFE10, v10  }
0xf9: {  	v46 =	vnsel vm4, $0x1EF, v10;
	vm5 =	vgt.s32 v11, $0x0  }
0xfa: {  	vm6 =	vlt.s32 v10, $0x1F0;
	v11 =	vnsel vm5, $0x0, v11;
	v12 =	vshll.u32 v46, $0x7  }
0xfb: {  	vm7 =	vge.s32 v10, $0x1F0;
	v10 =	vor.u32 v8, v12;
	v11 =	vshll.u32 v11, $0x7  }
0xfc: {  	v11 =	vor.u32 v8, v11;
	_ =	sdelay $0x3  }
0xfd: {  	[tilespmem:v10+s19+$0x0] =	vst.idx.msk vm6, v2  }
0xfe: {  	[tilespmem:v11+s20+$0x0] =	vst.idx.msk vm7, v2  }
0xff: {  	v10 =	vld [tilespmem:$0xF0];
	_ =	sdelay $0x4  }
0x100: {  	vm8 =	vlt.s32 v10, $0x1EF;
	v11 =	vadd.s32 $0xFFFFFE10, v10  }
0x101: {  	v47 =	vnsel vm8, $0x1EF, v10;
	vm9 =	vgt.s32 v11, $0x0  }
0x102: {  	vm10 =	vlt.s32 v10, $0x1F0;
	v11 =	vnsel vm9, $0x0, v11;
	v12 =	vshll.u32 v47, $0x7  }
0x103: {  	vm11 =	vge.s32 v10, $0x1F0;
	v10 =	vor.u32 v9, v12;
	v11 =	vshll.u32 v11, $0x7  }
0x104: {  	v11 =	vor.u32 v9, v11;
	_ =	sdelay $0x3  }
0x105: {  	[tilespmem:v10+s19+$0x0] =	vst.idx.msk vm10, v2  }
0x106: {  	s1 =	sadd.s32 s29, s13;
	[tilespmem:v11+s20+$0x0] =	vst.idx.msk vm11, v2  }
0x107: {  	[hbm4b:s1+s21] =	stream.strided.scatter [tilespmem:s19], [sflag:$0x3], $0xF800, s22, s21, $0x38;
	[tilespmem:$0x1F500] =	vst v63  }
0x108: {  	s1 =	sadd.s32 s29, s14  }
0x109: {  	[hbm4b:s1+s21] =	stream.strided.scatter [tilespmem:s20], [sflag:$0x4], $0xFC00, s22, s21, $0x38;
	[tilespmem:$0x1F500] =	vst v63  }
0x10a: {  	_ =	swait.ge [sflag:s24], $0xF800  }
0x10b: {  	[sflag:s24] =	ssyncset.done $0x0  }
0x10c: {  	[sflag:s24] =	ssyncadd.s32 $0xFFFF0800  }
0x10d: {  	_ =	swait.ge [sflag:s25], $0xFC00  }
0x10e: {  	[sflag:s25] =	ssyncset.done $0x0  }
0x10f: {  	[sflag:s25] =	ssyncadd.s32 $0xFFFF0400  }
0x110: {  	v10 =	vld [tilespmem:$0x80];
	_ =	sdelay $0x4  }
0x111: {  	vm12 =	vlt.s32 v10, $0x1EF;
	v11 =	vadd.s32 $0xFFFFFE10, v10  }
0x112: {  	v48 =	vnsel vm12, $0x1EF, v10;
	vm13 =	vgt.s32 v11, $0x0  }
0x113: {  	vm14 =	vlt.s32 v10, $0x1F0;
	v11 =	vnsel vm13, $0x0, v11;
	v12 =	vshll.u32 v48, $0x7  }
0x114: {  	vm15 =	vge.s32 v10, $0x1F0;
	v10 =	vor.u32 v0, v12;
	v11 =	vshll.u32 v11, $0x7  }
0x115: {  	v11 =	vor.u32 v0, v11;
	_ =	sdelay $0x3  }
0x116: {  	[tilespmem:v10+s19+$0x0] =	vst.idx.msk vm14, v1  }
0x117: {  	[tilespmem:v11+s20+$0x0] =	vst.idx.msk vm15, v1  }
0x118: {  	v10 =	vld [tilespmem:$0x90];
	_ =	sdelay $0x4  }
0x119: {  	vm4 =	vlt.s32 v10, $0x1EF;
	v11 =	vadd.s32 $0xFFFFFE10, v10  }
0x11a: {  	v49 =	vnsel vm4, $0x1EF, v10;
	vm5 =	vgt.s32 v11, $0x0  }
0x11b: {  	vm6 =	vlt.s32 v10, $0x1F0;
	v11 =	vnsel vm5, $0x0, v11;
	v12 =	vshll.u32 v49, $0x7  }
0x11c: {  	vm7 =	vge.s32 v10, $0x1F0;
	v10 =	vor.u32 v3, v12;
	v11 =	vshll.u32 v11, $0x7  }
0x11d: {  	v11 =	vor.u32 v3, v11;
	_ =	sdelay $0x3  }
0x11e: {  	[tilespmem:v10+s19+$0x0] =	vst.idx.msk vm6, v1  }
0x11f: {  	[tilespmem:v11+s20+$0x0] =	vst.idx.msk vm7, v1  }
0x120: {  	v10 =	vld [tilespmem:$0xA0];
	_ =	sdelay $0x4  }
0x121: {  	vm8 =	vlt.s32 v10, $0x1EF;
	v11 =	vadd.s32 $0xFFFFFE10, v10  }
0x122: {  	v50 =	vnsel vm8, $0x1EF, v10;
	vm9 =	vgt.s32 v11, $0x0  }
0x123: {  	vm10 =	vlt.s32 v10, $0x1F0;
	v11 =	vnsel vm9, $0x0, v11;
	v12 =	vshll.u32 v50, $0x7  }
0x124: {  	vm11 =	vge.s32 v10, $0x1F0;
	v10 =	vor.u32 v4, v12;
	v11 =	vshll.u32 v11, $0x7  }
0x125: {  	v11 =	vor.u32 v4, v11;
	_ =	sdelay $0x3  }
0x126: {  	[tilespmem:v10+s19+$0x0] =	vst.idx.msk vm10, v1  }
0x127: {  	[tilespmem:v11+s20+$0x0] =	vst.idx.msk vm11, v1  }
0x128: {  	v10 =	vld [tilespmem:$0xB0];
	_ =	sdelay $0x4  }
0x129: {  	vm12 =	vlt.s32 v10, $0x1EF;
	v11 =	vadd.s32 $0xFFFFFE10, v10  }
0x12a: {  	v51 =	vnsel vm12, $0x1EF, v10;
	vm13 =	vgt.s32 v11, $0x0  }
0x12b: {  	vm14 =	vlt.s32 v10, $0x1F0;
	v11 =	vnsel vm13, $0x0, v11;
	v12 =	vshll.u32 v51, $0x7  }
0x12c: {  	vm15 =	vge.s32 v10, $0x1F0;
	v10 =	vor.u32 v5, v12;
	v11 =	vshll.u32 v11, $0x7  }
0x12d: {  	v11 =	vor.u32 v5, v11;
	_ =	sdelay $0x3  }
0x12e: {  	[tilespmem:v10+s19+$0x0] =	vst.idx.msk vm14, v1  }
0x12f: {  	[tilespmem:v11+s20+$0x0] =	vst.idx.msk vm15, v1  }
0x130: {  	v10 =	vld [tilespmem:$0xC0];
	_ =	sdelay $0x4  }
0x131: {  	vm4 =	vlt.s32 v10, $0x1EF;
	v11 =	vadd.s32 $0xFFFFFE10, v10  }
0x132: {  	v52 =	vnsel vm4, $0x1EF, v10;
	vm5 =	vgt.s32 v11, $0x0  }
0x133: {  	vm6 =	vlt.s32 v10, $0x1F0;
	v11 =	vnsel vm5, $0x0, v11;
	v12 =	vshll.u32 v52, $0x7  }
0x134: {  	vm7 =	vge.s32 v10, $0x1F0;
	v10 =	vor.u32 v6, v12;
	v11 =	vshll.u32 v11, $0x7  }
0x135: {  	v11 =	vor.u32 v6, v11;
	_ =	sdelay $0x3  }
0x136: {  	[tilespmem:v10+s19+$0x0] =	vst.idx.msk vm6, v1  }
0x137: {  	[tilespmem:v11+s20+$0x0] =	vst.idx.msk vm7, v1  }
0x138: {  	v10 =	vld [tilespmem:$0xD0];
	_ =	sdelay $0x4  }
0x139: {  	vm8 =	vlt.s32 v10, $0x1EF;
	v11 =	vadd.s32 $0xFFFFFE10, v10  }
0x13a: {  	v53 =	vnsel vm8, $0x1EF, v10;
	vm9 =	vgt.s32 v11, $0x0  }
0x13b: {  	vm10 =	vlt.s32 v10, $0x1F0;
	v11 =	vnsel vm9, $0x0, v11;
	v12 =	vshll.u32 v53, $0x7  }
0x13c: {  	vm11 =	vge.s32 v10, $0x1F0;
	v10 =	vor.u32 v7, v12;
	v11 =	vshll.u32 v11, $0x7  }
0x13d: {  	v11 =	vor.u32 v7, v11;
	_ =	sdelay $0x3  }
0x13e: {  	[tilespmem:v10+s19+$0x0] =	vst.idx.msk vm10, v1  }
0x13f: {  	[tilespmem:v11+s20+$0x0] =	vst.idx.msk vm11, v1  }
0x140: {  	v10 =	vld [tilespmem:$0xE0];
	_ =	sdelay $0x4  }
0x141: {  	vm12 =	vlt.s32 v10, $0x1EF;
	v11 =	vadd.s32 $0xFFFFFE10, v10  }
0x142: {  	v54 =	vnsel vm12, $0x1EF, v10;
	vm13 =	vgt.s32 v11, $0x0  }
0x143: {  	vm14 =	vlt.s32 v10, $0x1F0;
	v11 =	vnsel vm13, $0x0, v11;
	v12 =	vshll.u32 v54, $0x7  }
0x144: {  	vm15 =	vge.s32 v10, $0x1F0;
	v10 =	vor.u32 v8, v12;
	v11 =	vshll.u32 v11, $0x7  }
0x145: {  	v11 =	vor.u32 v8, v11;
	_ =	sdelay $0x3  }
0x146: {  	[tilespmem:v10+s19+$0x0] =	vst.idx.msk vm14, v1  }
0x147: {  	[tilespmem:v11+s20+$0x0] =	vst.idx.msk vm15, v1  }
0x148: {  	v10 =	vld [tilespmem:$0xF0];
	_ =	sdelay $0x4  }
0x149: {  	vm4 =	vlt.s32 v10, $0x1EF;
	v11 =	vadd.s32 $0xFFFFFE10, v10  }
0x14a: {  	v55 =	vnsel vm4, $0x1EF, v10;
	vm5 =	vgt.s32 v11, $0x0  }
0x14b: {  	vm6 =	vlt.s32 v10, $0x1F0;
	v11 =	vnsel vm5, $0x0, v11;
	v12 =	vshll.u32 v55, $0x7  }
0x14c: {  	vm7 =	vge.s32 v10, $0x1F0;
	v10 =	vor.u32 v9, v12;
	v11 =	vshll.u32 v11, $0x7  }
0x14d: {  	v11 =	vor.u32 v9, v11;
	_ =	sdelay $0x3  }
0x14e: {  	[tilespmem:v10+s19+$0x0] =	vst.idx.msk vm6, v1  }
0x14f: {  	[tilespmem:v11+s20+$0x0] =	vst.idx.msk vm7, v1  }
0x150: {  	[tilespmem:s23], [sflag:$0x2] =	stream.linear.gather [hbm4b:s12+s3], $0x80, $0x38;
	[tilespmem:$0x1F500] =	vst v63  }
0x151: {  	_ =	swait.ge [sflag:s18], $0x80  }
0x152: {  	[sflag:s18] =	ssyncset.done $0x0  }
0x153: {  	[sflag:s18] =	ssyncadd.s32 $0xFFFFFF80  }
0x154: {  	v10 =	vld [tilespmem:$0x0];
	_ =	sdelay $0x4  }
0x155: {  	vm8 =	vlt.s32 v10, $0x1EF;
	v11 =	vadd.s32 $0xFFFFFE10, v10  }
0x156: {  	v56 =	vnsel vm8, $0x1EF, v10;
	vm9 =	vgt.s32 v11, $0x0  }
0x157: {  	vm10 =	vlt.s32 v10, $0x1F0;
	v11 =	vnsel vm9, $0x0, v11;
	v12 =	vshll.u32 v56, $0x7  }
0x158: {  	vm11 =	vge.s32 v10, $0x1F0;
	v10 =	vor.u32 v0, v12;
	v11 =	vshll.u32 v11, $0x7  }
0x159: {  	v11 =	vor.u32 v0, v11;
	_ =	sdelay $0x3  }
0x15a: {  	[tilespmem:v10+s19+$0x0] =	vst.idx.msk vm10, v2  }
0x15b: {  	[tilespmem:v11+s20+$0x0] =	vst.idx.msk vm11, v2  }
0x15c: {  	v10 =	vld [tilespmem:$0x10];
	_ =	sdelay $0x4  }
0x15d: {  	vm12 =	vlt.s32 v10, $0x1EF;
	v11 =	vadd.s32 $0xFFFFFE10, v10  }
0x15e: {  	v57 =	vnsel vm12, $0x1EF, v10;
	vm13 =	vgt.s32 v11, $0x0  }
0x15f: {  	vm14 =	vlt.s32 v10, $0x1F0;
	v11 =	vnsel vm13, $0x0, v11;
	v12 =	vshll.u32 v57, $0x7  }
0x160: {  	vm15 =	vge.s32 v10, $0x1F0;
	v10 =	vor.u32 v3, v12;
	v11 =	vshll.u32 v11, $0x7  }
0x161: {  	v11 =	vor.u32 v3, v11;
	_ =	sdelay $0x3  }
0x162: {  	[tilespmem:v10+s19+$0x0] =	vst.idx.msk vm14, v2  }
0x163: {  	[tilespmem:v11+s20+$0x0] =	vst.idx.msk vm15, v2  }
0x164: {  	v10 =	vld [tilespmem:$0x20];
	_ =	sdelay $0x4  }
0x165: {  	vm4 =	vlt.s32 v10, $0x1EF;
	v11 =	vadd.s32 $0xFFFFFE10, v10  }
0x166: {  	v58 =	vnsel vm4, $0x1EF, v10;
	vm5 =	vgt.s32 v11, $0x0  }
0x167: {  	vm6 =	vlt.s32 v10, $0x1F0;
	v11 =	vnsel vm5, $0x0, v11;
	v12 =	vshll.u32 v58, $0x7  }
0x168: {  	vm7 =	vge.s32 v10, $0x1F0;
	v10 =	vor.u32 v4, v12;
	v11 =	vshll.u32 v11, $0x7  }
0x169: {  	v11 =	vor.u32 v4, v11;
	_ =	sdelay $0x3  }
0x16a: {  	[tilespmem:v10+s19+$0x0] =	vst.idx.msk vm6, v2  }
0x16b: {  	[tilespmem:v11+s20+$0x0] =	vst.idx.msk vm7, v2  }
0x16c: {  	v10 =	vld [tilespmem:$0x30];
	_ =	sdelay $0x4  }
0x16d: {  	vm8 =	vlt.s32 v10, $0x1EF;
	v11 =	vadd.s32 $0xFFFFFE10, v10  }
0x16e: {  	v59 =	vnsel vm8, $0x1EF, v10;
	vm9 =	vgt.s32 v11, $0x0  }
0x16f: {  	vm10 =	vlt.s32 v10, $0x1F0;
	v11 =	vnsel vm9, $0x0, v11;
	v12 =	vshll.u32 v59, $0x7  }
0x170: {  	vm11 =	vge.s32 v10, $0x1F0;
	v10 =	vor.u32 v5, v12;
	v11 =	vshll.u32 v11, $0x7  }
0x171: {  	v11 =	vor.u32 v5, v11;
	_ =	sdelay $0x3  }
0x172: {  	[tilespmem:v10+s19+$0x0] =	vst.idx.msk vm10, v2  }
0x173: {  	[tilespmem:v11+s20+$0x0] =	vst.idx.msk vm11, v2  }
0x174: {  	v10 =	vld [tilespmem:$0x40];
	_ =	sdelay $0x4  }
0x175: {  	vm12 =	vlt.s32 v10, $0x1EF;
	v11 =	vadd.s32 $0xFFFFFE10, v10  }
0x176: {  	v60 =	vnsel vm12, $0x1EF, v10;
	vm13 =	vgt.s32 v11, $0x0  }
0x177: {  	vm14 =	vlt.s32 v10, $0x1F0;
	v11 =	vnsel vm13, $0x0, v11;
	v12 =	vshll.u32 v60, $0x7  }
0x178: {  	vm15 =	vge.s32 v10, $0x1F0;
	v10 =	vor.u32 v6, v12;
	v11 =	vshll.u32 v11, $0x7  }
0x179: {  	v11 =	vor.u32 v6, v11;
	_ =	sdelay $0x3  }
0x17a: {  	[tilespmem:v10+s19+$0x0] =	vst.idx.msk vm14, v2  }
0x17b: {  	[tilespmem:v11+s20+$0x0] =	vst.idx.msk vm15, v2  }
0x17c: {  	v10 =	vld [tilespmem:$0x50];
	_ =	sdelay $0x4  }
0x17d: {  	vm4 =	vlt.s32 v10, $0x1EF;
	v11 =	vadd.s32 $0xFFFFFE10, v10  }
0x17e: {  	v61 =	vnsel vm4, $0x1EF, v10;
	vm5 =	vgt.s32 v11, $0x0  }
0x17f: {  	vm6 =	vlt.s32 v10, $0x1F0;
	v11 =	vnsel vm5, $0x0, v11;
	v12 =	vshll.u32 v61, $0x7  }
0x180: {  	vm7 =	vge.s32 v10, $0x1F0;
	v10 =	vor.u32 v7, v12;
	v11 =	vshll.u32 v11, $0x7  }
0x181: {  	v11 =	vor.u32 v7, v11;
	_ =	sdelay $0x3  }
0x182: {  	[tilespmem:v10+s19+$0x0] =	vst.idx.msk vm6, v2  }
0x183: {  	[tilespmem:v11+s20+$0x0] =	vst.idx.msk vm7, v2  }
0x184: {  	v10 =	vld [tilespmem:$0x60];
	_ =	sdelay $0x4  }
0x185: {  	vm8 =	vlt.s32 v10, $0x1EF;
	v11 =	vadd.s32 $0xFFFFFE10, v10  }
0x186: {  	v62 =	vnsel vm8, $0x1EF, v10;
	vm9 =	vgt.s32 v11, $0x0  }
0x187: {  	vm10 =	vlt.s32 v10, $0x1F0;
	v11 =	vnsel vm9, $0x0, v11;
	v12 =	vshll.u32 v62, $0x7  }
0x188: {  	vm11 =	vge.s32 v10, $0x1F0;
	v10 =	vor.u32 v8, v12;
	v11 =	vshll.u32 v11, $0x7  }
0x189: {  	v11 =	vor.u32 v8, v11;
	_ =	sdelay $0x3  }
0x18a: {  	[tilespmem:v10+s19+$0x0] =	vst.idx.msk vm10, v2  }
0x18b: {  	[tilespmem:v11+s20+$0x0] =	vst.idx.msk vm11, v2  }
0x18c: {  	v10 =	vld [tilespmem:$0x70];
	_ =	sdelay $0x4  }
0x18d: {  	vm12 =	vlt.s32 v10, $0x1EF;
	v11 =	vadd.s32 $0xFFFFFE10, v10  }
0x18e: {  	v63 =	vnsel vm12, $0x1EF, v10;
	vm13 =	vgt.s32 v11, $0x0  }
0x18f: {  	vm14 =	vlt.s32 v10, $0x1F0;
	v11 =	vnsel vm13, $0x0, v11;
	v12 =	vshll.u32 v63, $0x7  }
0x190: {  	vm15 =	vge.s32 v10, $0x1F0;
	v10 =	vor.u32 v9, v12;
	v11 =	vshll.u32 v11, $0x7  }
0x191: {  	v11 =	vor.u32 v9, v11;
	_ =	sdelay $0x2  }
0x192: {  	p0 =	sne.s32 s29, $0xABE000  }
.Ltmp1:
0x193: {  	s1 =	sshrl.u32 s30, $0x3;
	[tilespmem:v10+s19+$0x0] =	vst.idx.msk vm14, v2;
	(pc) =	sbr.rel @p0 .LBB2_4-.Ltmp1, $4  }
0x194: {  	s31 =	sadd.s32 $0x2000, s31;
	s30 =	sadd.s32 $0x7D0000, s30;
	s1 =	sadd.s32 s2, s1;
	[tilespmem:v11+s20+$0x0] =	vst.idx.msk vm15, v2  }
0x195: {  	[hbm4b:s1+s21] =	stream.strided.scatter [tilespmem:s19], [sflag:$0x3], $0xF800, s22, s21, $0x38;
	[tilespmem:$0x1F500] =	vst v63  }
0x196: {  	s12 =	sadd.s32 $0x400, s12;
	s1 =	sadd.s32 s29, s17;
	s29 =	sadd.s32 $0xFA000, s29  }
0x197: {  	[hbm4b:s1+s21] =	stream.strided.scatter [tilespmem:s20], [sflag:$0x4], $0xFC00, s22, s21, $0x38;
	[tilespmem:$0x1F500] =	vst v63  }
0x198: {  	_ =	swait.ge [sflag:s24], $0xF800  }
0x199: {  	[sflag:s24] =	ssyncset.done $0x0  }
0x19a: {  	[sflag:s24] =	ssyncadd.s32 $0xFFFF0800  }
0x19b: {  	_ =	swait.ge [sflag:s25], $0xFC00  }
0x19c: {  	[sflag:s25] =	ssyncset.done $0x0  }
0x19d: {  	[sflag:s25] =	ssyncadd.s32 $0xFFFF0400  }
0x19e: {  	v10 =	vld [tilespmem:$0x0];
	_ =	sdelay $0x4  }
0x19f: {  	vm0 =	vlt.s32 v10, $0x1EF;
	v11 =	vadd.s32 $0xFFFFFE10, v10  }
0x1a0: {  	v12 =	vnsel vm0, $0x1EF, v10;
	vm14 =	vgt.s32 v11, $0x0  }
0x1a1: {  	vm1 =	vlt.s32 v10, $0x1F0;
	v11 =	vnsel vm14, $0x0, v11;
	v12 =	vshll.u32 v12, $0x7  }
0x1a2: {  	vm15 =	vge.s32 v10, $0x1F0;
	v10 =	vor.u32 v0, v12;
	v11 =	vshll.u32 v11, $0x7  }
0x1a3: {  	v11 =	vor.u32 v0, v11;
	_ =	sdelay $0x3  }
0x1a4: {  	[tilespmem:v10+s19+$0x0] =	vst.idx.msk vm1, v1  }
0x1a5: {  	[tilespmem:v11+s20+$0x0] =	vst.idx.msk vm15, v1  }
0x1a6: {  	v10 =	vld [tilespmem:$0x10];
	_ =	sdelay $0x4  }
0x1a7: {  	vm4 =	vlt.s32 v10, $0x1EF;
	v11 =	vadd.s32 $0xFFFFFE10, v10  }
0x1a8: {  	v49 =	vnsel vm4, $0x1EF, v10;
	vm5 =	vgt.s32 v11, $0x0  }
0x1a9: {  	vm6 =	vlt.s32 v10, $0x1F0;
	v11 =	vnsel vm5, $0x0, v11;
	v12 =	vshll.u32 v49, $0x7  }
0x1aa: {  	vm7 =	vge.s32 v10, $0x1F0;
	v10 =	vor.u32 v3, v12;
	v11 =	vshll.u32 v11, $0x7  }
0x1ab: {  	v11 =	vor.u32 v3, v11;
	_ =	sdelay $0x3  }
0x1ac: {  	[tilespmem:v10+s19+$0x0] =	vst.idx.msk vm6, v1  }
0x1ad: {  	[tilespmem:v11+s20+$0x0] =	vst.idx.msk vm7, v1  }
0x1ae: {  	v10 =	vld [tilespmem:$0x20];
	_ =	sdelay $0x4  }
0x1af: {  	vm8 =	vlt.s32 v10, $0x1EF;
	v11 =	vadd.s32 $0xFFFFFE10, v10  }
0x1b0: {  	v50 =	vnsel vm8, $0x1EF, v10;
	vm9 =	vgt.s32 v11, $0x0  }
0x1b1: {  	vm10 =	vlt.s32 v10, $0x1F0;
	v11 =	vnsel vm9, $0x0, v11;
	v12 =	vshll.u32 v50, $0x7  }
0x1b2: {  	vm11 =	vge.s32 v10, $0x1F0;
	v10 =	vor.u32 v4, v12;
	v11 =	vshll.u32 v11, $0x7  }
0x1b3: {  	v11 =	vor.u32 v4, v11;
	_ =	sdelay $0x3  }
0x1b4: {  	[tilespmem:v10+s19+$0x0] =	vst.idx.msk vm10, v1  }
0x1b5: {  	[tilespmem:v11+s20+$0x0] =	vst.idx.msk vm11, v1  }
0x1b6: {  	v10 =	vld [tilespmem:$0x30];
	_ =	sdelay $0x4  }
0x1b7: {  	vm12 =	vlt.s32 v10, $0x1EF;
	v11 =	vadd.s32 $0xFFFFFE10, v10  }
0x1b8: {  	v51 =	vnsel vm12, $0x1EF, v10;
	vm13 =	vgt.s32 v11, $0x0  }
0x1b9: {  	vm14 =	vlt.s32 v10, $0x1F0;
	v11 =	vnsel vm13, $0x0, v11;
	v12 =	vshll.u32 v51, $0x7  }
0x1ba: {  	vm15 =	vge.s32 v10, $0x1F0;
	v10 =	vor.u32 v5, v12;
	v11 =	vshll.u32 v11, $0x7  }
0x1bb: {  	v11 =	vor.u32 v5, v11;
	_ =	sdelay $0x3  }
0x1bc: {  	[tilespmem:v10+s19+$0x0] =	vst.idx.msk vm14, v1  }
0x1bd: {  	[tilespmem:v11+s20+$0x0] =	vst.idx.msk vm15, v1  }
0x1be: {  	v10 =	vld [tilespmem:$0x40];
	_ =	sdelay $0x4  }
0x1bf: {  	vm4 =	vlt.s32 v10, $0x1EF;
	v11 =	vadd.s32 $0xFFFFFE10, v10  }
0x1c0: {  	v52 =	vnsel vm4, $0x1EF, v10;
	vm5 =	vgt.s32 v11, $0x0  }
0x1c1: {  	vm6 =	vlt.s32 v10, $0x1F0;
	v11 =	vnsel vm5, $0x0, v11;
	v12 =	vshll.u32 v52, $0x7  }
0x1c2: {  	vm7 =	vge.s32 v10, $0x1F0;
	v10 =	vor.u32 v6, v12;
	v11 =	vshll.u32 v11, $0x7  }
0x1c3: {  	v11 =	vor.u32 v6, v11;
	_ =	sdelay $0x3  }
0x1c4: {  	[tilespmem:v10+s19+$0x0] =	vst.idx.msk vm6, v1  }
0x1c5: {  	[tilespmem:v11+s20+$0x0] =	vst.idx.msk vm7, v1  }
0x1c6: {  	v10 =	vld [tilespmem:$0x50];
	_ =	sdelay $0x4  }
0x1c7: {  	vm8 =	vlt.s32 v10, $0x1EF;
	v11 =	vadd.s32 $0xFFFFFE10, v10  }
0x1c8: {  	v53 =	vnsel vm8, $0x1EF, v10;
	vm9 =	vgt.s32 v11, $0x0  }
0x1c9: {  	vm10 =	vlt.s32 v10, $0x1F0;
	v11 =	vnsel vm9, $0x0, v11;
	v12 =	vshll.u32 v53, $0x7  }
0x1ca: {  	vm11 =	vge.s32 v10, $0x1F0;
	v10 =	vor.u32 v7, v12;
	v11 =	vshll.u32 v11, $0x7  }
0x1cb: {  	v11 =	vor.u32 v7, v11;
	_ =	sdelay $0x3  }
0x1cc: {  	[tilespmem:v10+s19+$0x0] =	vst.idx.msk vm10, v1  }
0x1cd: {  	[tilespmem:v11+s20+$0x0] =	vst.idx.msk vm11, v1  }
0x1ce: {  	v10 =	vld [tilespmem:$0x60];
	_ =	sdelay $0x4  }
0x1cf: {  	vm12 =	vlt.s32 v10, $0x1EF;
	v11 =	vadd.s32 $0xFFFFFE10, v10  }
0x1d0: {  	v54 =	vnsel vm12, $0x1EF, v10;
	vm13 =	vgt.s32 v11, $0x0  }
0x1d1: {  	vm14 =	vlt.s32 v10, $0x1F0;
	v11 =	vnsel vm13, $0x0, v11;
	v12 =	vshll.u32 v54, $0x7  }
0x1d2: {  	vm15 =	vge.s32 v10, $0x1F0;
	v10 =	vor.u32 v8, v12;
	v11 =	vshll.u32 v11, $0x7  }
0x1d3: {  	v11 =	vor.u32 v8, v11;
	_ =	sdelay $0x3  }
0x1d4: {  	[tilespmem:v10+s19+$0x0] =	vst.idx.msk vm14, v1  }
0x1d5: {  	[tilespmem:v11+s20+$0x0] =	vst.idx.msk vm15, v1  }
0x1d6: {  	v10 =	vld [tilespmem:$0x70];
	_ =	sdelay $0x4  }
0x1d7: {  	vm4 =	vlt.s32 v10, $0x1EF;
	v11 =	vadd.s32 $0xFFFFFE10, v10  }
0x1d8: {  	v55 =	vnsel vm4, $0x1EF, v10;
	vm5 =	vgt.s32 v11, $0x0  }
0x1d9: {  	vm6 =	vlt.s32 v10, $0x1F0;
	v11 =	vnsel vm5, $0x0, v11;
	v12 =	vshll.u32 v55, $0x7  }
0x1da: {  	vm7 =	vge.s32 v10, $0x1F0;
	v10 =	vor.u32 v9, v12;
	v11 =	vshll.u32 v11, $0x7  }
0x1db: {  	v11 =	vor.u32 v9, v11;
	_ =	sdelay $0x3  }
0x1dc: {  	[tilespmem:v10+s19+$0x0] =	vst.idx.msk vm6, v1  }
0x1dd: {  	[tilespmem:v11+s20+$0x0] =	vst.idx.msk vm7, v1  }
0x1de: {  	_ =	swait.ge [sflag:s26], $0x80  }
0x1df: {  	[sflag:s26] =	ssyncset.done $0x0  }
0x1e0: {  	[sflag:s26] =	ssyncadd.s32 $0xFFFFFF80  }
0x1e1: {  	v10 =	vld [tilespmem:$0x80];
	_ =	sdelay $0x4  }
0x1e2: {  	vm8 =	vlt.s32 v10, $0x1EF;
	v11 =	vadd.s32 $0xFFFFFE10, v10  }
0x1e3: {  	v56 =	vnsel vm8, $0x1EF, v10;
	vm9 =	vgt.s32 v11, $0x0  }
0x1e4: {  	vm10 =	vlt.s32 v10, $0x1F0;
	v11 =	vnsel vm9, $0x0, v11;
	v12 =	vshll.u32 v56, $0x7  }
0x1e5: {  	vm11 =	vge.s32 v10, $0x1F0;
	v10 =	vor.u32 v0, v12;
	v11 =	vshll.u32 v11, $0x7  }
0x1e6: {  	v11 =	vor.u32 v0, v11;
	_ =	sdelay $0x3  }
0x1e7: {  	[tilespmem:v10+s19+$0x0] =	vst.idx.msk vm10, v2  }
0x1e8: {  	[tilespmem:v11+s20+$0x0] =	vst.idx.msk vm11, v2  }
0x1e9: {  	v10 =	vld [tilespmem:$0x90];
	_ =	sdelay $0x4  }
0x1ea: {  	vm12 =	vlt.s32 v10, $0x1EF;
	v11 =	vadd.s32 $0xFFFFFE10, v10  }
0x1eb: {  	v57 =	vnsel vm12, $0x1EF, v10;
	vm13 =	vgt.s32 v11, $0x0  }
0x1ec: {  	vm14 =	vlt.s32 v10, $0x1F0;
	v11 =	vnsel vm13, $0x0, v11;
	v12 =	vshll.u32 v57, $0x7  }
0x1ed: {  	vm15 =	vge.s32 v10, $0x1F0;
	v10 =	vor.u32 v3, v12;
	v11 =	vshll.u32 v11, $0x7  }
0x1ee: {  	v11 =	vor.u32 v3, v11;
	_ =	sdelay $0x3  }
0x1ef: {  	[tilespmem:v10+s19+$0x0] =	vst.idx.msk vm14, v2  }
0x1f0: {  	[tilespmem:v11+s20+$0x0] =	vst.idx.msk vm15, v2  }
0x1f1: {  	v10 =	vld [tilespmem:$0xA0];
	_ =	sdelay $0x4  }
0x1f2: {  	vm4 =	vlt.s32 v10, $0x1EF;
	v11 =	vadd.s32 $0xFFFFFE10, v10  }
0x1f3: {  	v58 =	vnsel vm4, $0x1EF, v10;
	vm5 =	vgt.s32 v11, $0x0  }
0x1f4: {  	vm6 =	vlt.s32 v10, $0x1F0;
	v11 =	vnsel vm5, $0x0, v11;
	v12 =	vshll.u32 v58, $0x7  }
0x1f5: {  	vm7 =	vge.s32 v10, $0x1F0;
	v10 =	vor.u32 v4, v12;
	v11 =	vshll.u32 v11, $0x7  }
0x1f6: {  	v11 =	vor.u32 v4, v11;
	_ =	sdelay $0x3  }
0x1f7: {  	[tilespmem:v10+s19+$0x0] =	vst.idx.msk vm6, v2  }
0x1f8: {  	[tilespmem:v11+s20+$0x0] =	vst.idx.msk vm7, v2  }
0x1f9: {  	v10 =	vld [tilespmem:$0xB0];
	_ =	sdelay $0x4  }
0x1fa: {  	vm8 =	vlt.s32 v10, $0x1EF;
	v11 =	vadd.s32 $0xFFFFFE10, v10  }
0x1fb: {  	v59 =	vnsel vm8, $0x1EF, v10;
	vm9 =	vgt.s32 v11, $0x0  }
0x1fc: {  	vm10 =	vlt.s32 v10, $0x1F0;
	v11 =	vnsel vm9, $0x0, v11;
	v12 =	vshll.u32 v59, $0x7  }
0x1fd: {  	vm11 =	vge.s32 v10, $0x1F0;
	v10 =	vor.u32 v5, v12;
	v11 =	vshll.u32 v11, $0x7  }
0x1fe: {  	v11 =	vor.u32 v5, v11;
	_ =	sdelay $0x3  }
0x1ff: {  	[tilespmem:v10+s19+$0x0] =	vst.idx.msk vm10, v2  }
0x200: {  	[tilespmem:v11+s20+$0x0] =	vst.idx.msk vm11, v2  }
0x201: {  	v10 =	vld [tilespmem:$0xC0];
	_ =	sdelay $0x4  }
0x202: {  	vm12 =	vlt.s32 v10, $0x1EF;
	v11 =	vadd.s32 $0xFFFFFE10, v10  }
0x203: {  	v60 =	vnsel vm12, $0x1EF, v10;
	vm13 =	vgt.s32 v11, $0x0  }
0x204: {  	vm14 =	vlt.s32 v10, $0x1F0;
	v11 =	vnsel vm13, $0x0, v11;
	v12 =	vshll.u32 v60, $0x7  }
0x205: {  	vm15 =	vge.s32 v10, $0x1F0;
	v10 =	vor.u32 v6, v12;
	v11 =	vshll.u32 v11, $0x7  }
0x206: {  	v11 =	vor.u32 v6, v11;
	_ =	sdelay $0x3  }
0x207: {  	[tilespmem:v10+s19+$0x0] =	vst.idx.msk vm14, v2  }
0x208: {  	[tilespmem:v11+s20+$0x0] =	vst.idx.msk vm15, v2  }
0x209: {  	v10 =	vld [tilespmem:$0xD0];
	_ =	sdelay $0x4  }
0x20a: {  	vm4 =	vlt.s32 v10, $0x1EF;
	v11 =	vadd.s32 $0xFFFFFE10, v10  }
0x20b: {  	v61 =	vnsel vm4, $0x1EF, v10;
	vm5 =	vgt.s32 v11, $0x0  }
0x20c: {  	vm6 =	vlt.s32 v10, $0x1F0;
	v11 =	vnsel vm5, $0x0, v11;
	v12 =	vshll.u32 v61, $0x7  }
0x20d: {  	vm7 =	vge.s32 v10, $0x1F0;
	v10 =	vor.u32 v7, v12;
	v11 =	vshll.u32 v11, $0x7  }
0x20e: {  	v11 =	vor.u32 v7, v11;
	_ =	sdelay $0x3  }
0x20f: {  	[tilespmem:v10+s19+$0x0] =	vst.idx.msk vm6, v2  }
0x210: {  	[tilespmem:v11+s20+$0x0] =	vst.idx.msk vm7, v2  }
0x211: {  	v10 =	vld [tilespmem:$0xE0];
	_ =	sdelay $0x4  }
0x212: {  	vm8 =	vlt.s32 v10, $0x1EF;
	v11 =	vadd.s32 $0xFFFFFE10, v10  }
0x213: {  	v62 =	vnsel vm8, $0x1EF, v10;
	vm9 =	vgt.s32 v11, $0x0  }
0x214: {  	vm10 =	vlt.s32 v10, $0x1F0;
	v11 =	vnsel vm9, $0x0, v11;
	v12 =	vshll.u32 v62, $0x7  }
0x215: {  	vm11 =	vge.s32 v10, $0x1F0;
	v10 =	vor.u32 v8, v12;
	v11 =	vshll.u32 v11, $0x7  }
0x216: {  	v11 =	vor.u32 v8, v11;
	_ =	sdelay $0x3  }
0x217: {  	[tilespmem:v10+s19+$0x0] =	vst.idx.msk vm10, v2  }
0x218: {  	[tilespmem:v11+s20+$0x0] =	vst.idx.msk vm11, v2  }
0x219: {  	v10 =	vld [tilespmem:$0xF0];
	_ =	sdelay $0x4  }
0x21a: {  	vm12 =	vlt.s32 v10, $0x1EF;
	v11 =	vadd.s32 $0xFFFFFE10, v10  }
0x21b: {  	v63 =	vnsel vm12, $0x1EF, v10;
	vm13 =	vgt.s32 v11, $0x0  }
0x21c: {  	vm14 =	vlt.s32 v10, $0x1F0;
	v11 =	vnsel vm13, $0x0, v11;
	v12 =	vshll.u32 v63, $0x7  }
0x21d: {  	vm15 =	vge.s32 v10, $0x1F0;
	v10 =	vor.u32 v9, v12;
	v11 =	vshll.u32 v11, $0x7  }
0x21e: {  	v11 =	vor.u32 v9, v11;
	_ =	sdelay $0x3  }
0x21f: {  	[tilespmem:v10+s19+$0x0] =	vst.idx.msk vm14, v2  }
0x220: {  	[tilespmem:v11+s20+$0x0] =	vst.idx.msk vm15, v2  }
0x221: {  	[hbm4b:s9+s21] =	stream.strided.scatter [tilespmem:s19], [sflag:$0x3], $0xF800, s22, s21, $0x38;
	[tilespmem:$0x1F500] =	vst v63  }
0x222: {  	s28 =	sadd.s32 $0x1, s28  }
0x223: {  	[hbm4b:s10+s21] =	stream.strided.scatter [tilespmem:s20], [sflag:$0x4], $0xFC00, s22, s21, $0x38;
	[tilespmem:$0x1F500] =	vst v63  }
0x224: {  	p0 =	sne.s32 s28, s11;
	_ =	swait.ge [sflag:s24], $0xF800  }
.Ltmp2:
0x225: {  	[sflag:s24] =	ssyncset.done $0x0;
	(pc) =	sbr.rel @p0 .LBB2_1-.Ltmp2, $4  }
0x226: {  	[sflag:s24] =	ssyncadd.s32 $0xFFFF0800  }
0x227: {  	_ =	swait.ge [sflag:s25], $0xFC00  }
0x228: {  	[sflag:s25] =	ssyncset.done $0x0  }
0x229: {  	[sflag:s25] =	ssyncadd.s32 $0xFFFF0400  }
0x22a: {  	_ =	sfence.sel $0x180000  }
0x22b: {  	[bflag:$0x0] =	sbarrier.arrive $0xFFFF  }
0x22c: {  	_ =	strace $0x90000047  }
0x22d: {  	s0 =	stileid.u32;
	[bflag:$0x2] =	sbarrier.arrive $0xFFFF  }
0x22e: {  	p0 =	sne.s32 s0, $0x0;
	s0 =	rddreg [dreg:$0x2]  }
0x22f: {  	s0 =	sadd.s32 @!p0 $0x100000, s0  }
0x230: {  	[sflag:s0] =	ssyncadd.tile.s32 @!p0 $0x1;
	_ =	shalt  }
.Lfunc_end2:
_tile_overlayer_lowered:
.L_overlay_start_2:
0x231: {  	(tag) =	ssettag $0x2  }
0x232: {  	s0 =	rddreg [dreg:$0x0];
	s2 =	stileid.u32  }
0x233: {  	s1 =	rddreg [dreg:$0x1];
	p0 =	sne.s32 s2, $0x0  }
0x234: {  	s3 =	rddreg [dreg:$0x2];
	[bflag:$0x3] =	sbarrier.arrive $0xFFFF;
	s2 =	simm.s32 @!p0 $0x1C05  }
0x235: {  	[timem:s3], [sflag:s2] =	dma.local @!p0 [hbm:s0], s1  }
0x236: {  	s0 =	simm.s32 @!p0 $0x5  }
0x237: {  	_ =	swait.ge @!p0 [sflag:s0], s1  }
0x238: {  	s1 =	ssub.s32 @!p0 $0x0, s1;
	[sflag:s0] =	ssyncset.done @!p0 $0x0  }
0x239: {  	[sflag:s0] =	ssyncadd.s32 @!p0 s1  }
0x23a: {  	[bflag:$0x3] =	sbarrier.arrive $0xFFFF  }
0x23b: {  	_ =	shalt  }

</sc_bundles>
